<compile_context>
chip_gen: v7x
topology: tpu7x:2x2x1
jax: 0.10.2.dev20260603
libtpu: 0.0.44.dev20260713+nightly
codegen_flags: <defaults>
</compile_context>

<pallas_src>
import functools

import jax
import jax.numpy as jnp
from jax import lax
from jax.experimental import pallas as pl
from jax.experimental.pallas import tpu as pltpu
from jax.experimental.pallas import tpu_sc as plsc

D_MODEL = 1024
VOCAB = 128
N_DUR = 8
N_PITCH = 12
N_OTHER = 32
N_SPECIAL = 8

NUM_CORES = 2
NUM_SUBCORES = 16
NUM_WORKERS = NUM_CORES * NUM_SUBCORES
CHUNK = 8
NBUF = 8
LAG = 4
REPL = 16


def _table_body(dur_ref, pitch_ref, oth_ref, comb_ref, tab_v):
    @pl.when(pl.program_id(0) == 0)
    def _compute():
        def sel(n_rows, fn):
            v = lax.broadcasted_iota(jnp.int32, (n_rows, VOCAB), 1)
            i = lax.broadcasted_iota(jnp.int32, (n_rows, VOCAB), 0)
            return fn(v, i).astype(jnp.float32)

        note_lo, note_hi = N_SPECIAL, N_SPECIAL + N_DUR * N_PITCH
        oh_d = sel(N_DUR, lambda v, i: (v >= note_lo) & (v < note_hi)
                   & ((v - note_lo) // N_PITCH == i))
        oh_p = sel(N_PITCH, lambda v, i: (v >= note_lo) & (v < note_hi)
                   & ((v - note_lo) % N_PITCH == i))
        oh_o = sel(N_OTHER, lambda v, i: ((v < note_lo) & (v == i))
                   | ((v >= note_hi) & (v - note_hi + N_SPECIAL == i)))
        dims = (((0,), (0,)), ((), ()))
        tab_v[:] = (
            lax.dot_general(oh_d, dur_ref[:], dims,
                            preferred_element_type=jnp.float32)
            + lax.dot_general(oh_p, pitch_ref[:], dims,
                              preferred_element_type=jnp.float32)
            + lax.dot_general(oh_o, oth_ref[:], dims,
                              preferred_element_type=jnp.float32))

    comb_ref[:] = tab_v[:]


def _build_table(dur_w, pitch_w, other_w):
    return pl.pallas_call(
        _table_body,
        grid=(REPL,),
        in_specs=[pl.BlockSpec((N_DUR, D_MODEL), lambda i: (0, 0)),
                  pl.BlockSpec((N_PITCH, D_MODEL), lambda i: (0, 0)),
                  pl.BlockSpec((N_OTHER, D_MODEL), lambda i: (0, 0))],
        out_specs=pl.BlockSpec((VOCAB, D_MODEL), lambda i: (i, 0)),
        out_shape=jax.ShapeDtypeStruct((REPL * VOCAB, D_MODEL), jnp.float32),
        scratch_shapes=[pltpu.VMEM((VOCAB, D_MODEL), jnp.float32)],
    )(dur_w, pitch_w, other_w)


def _sc_body(n_tok, comb_hbm, tok_hbm, out_hbm, tid_v, rows_v, *sems):
    gsems = sems[:NBUF]
    ssems = sems[NBUF:]
    per_w = n_tok // NUM_WORKERS
    n_chunks = per_w // CHUNK
    wid = lax.axis_index("s") * NUM_CORES + lax.axis_index("c")
    base = wid * per_w
    pltpu.sync_copy(tok_hbm.at[pl.ds(base, per_w)], tid_v)

    off = wid % REPL * VOCAB

    def add_off(j, carry):
        tid_v[pl.ds(j * 16, 16)] = tid_v[pl.ds(j * 16, 16)] + off
        return carry

    lax.fori_loop(0, per_w // 16, add_off, 0)

    def gdesc(g, buf):
        return pltpu.make_async_copy(
            comb_hbm.at[tid_v.at[pl.ds(g * CHUNK, CHUNK)]],
            rows_v.at[buf], gsems[buf])

    def sdesc(g, buf):
        return pltpu.make_async_copy(
            rows_v.at[buf], out_hbm.at[pl.ds(base + g * CHUNK, CHUNK)],
            ssems[buf])

    for jj in range(NBUF):
        gdesc(jj, jj).start()
    for jj in range(LAG, NBUF):
        j = jj - LAG
        gdesc(j, j % NBUF).wait()
        sdesc(j, j % NBUF).start()

    def body(k, carry):
        for jj in range(NBUF):
            i = NBUF * k + jj
            sdesc(i - NBUF, jj).wait()
            gdesc(i, jj).start()
            j = i - LAG
            b2 = (jj - LAG) % NBUF
            gdesc(j, b2).wait()
            sdesc(j, b2).start()
        return carry

    lax.fori_loop(1, n_chunks // NBUF, body, 0)
    for jj in range(LAG):
        j = n_chunks - LAG + jj
        b2 = j % NBUF
        gdesc(j, b2).wait()
        sdesc(j, b2).start()
    for jj in range(NBUF):
        sdesc(n_chunks - NBUF + jj, jj).wait()


def _sc_gather(comb, tok_flat):
    n_tok = tok_flat.shape[0]
    mesh = plsc.VectorSubcoreMesh(core_axis_name="c", subcore_axis_name="s")
    return pl.kernel(
        functools.partial(_sc_body, n_tok),
        out_type=jax.ShapeDtypeStruct((n_tok, D_MODEL), jnp.float32),
        mesh=mesh,
        scratch_types=(
            [pltpu.VMEM((n_tok // NUM_WORKERS,), jnp.int32),
             pltpu.VMEM((NBUF, CHUNK, D_MODEL), jnp.float32)]
            + [pltpu.SemaphoreType.DMA] * (2 * NBUF)),
    )(comb, tok_flat)


def kernel(token_ids, is_note, note_dur_idx, note_pitch_idx, other_idx,
           dur_w, pitch_w, other_w):
    comb = _build_table(dur_w, pitch_w, other_w)
    tok_flat = token_ids.reshape(-1)
    out_flat = _sc_gather(comb, tok_flat)
    return out_flat.reshape(token_ids.shape + (D_MODEL,))

# --- scband reference (transcript-rebuilt; emitter-appended) ---
"""Pipeline reference for scband-cwtembedding-35897336660306 (READ-ONLY COPY).

The authoritative reference and input builder live on the scoring server;
editing this copy changes nothing except your own understanding.
"""

import jax, jax.numpy as jnp
import numpy as np

N_DUR = 8
N_PITCH = 12
N_NOTE = N_DUR * N_PITCH
N_OTHER = 32
N_SPECIAL = 8
NOTE_START = 8
VOCAB = N_SPECIAL + N_NOTE + (N_OTHER - N_SPECIAL)
D_MODEL = 1024
B, S = 4, 8192


def _build_buffers():
    is_note = np.zeros(VOCAB, dtype=bool)
    is_note[NOTE_START:NOTE_START + N_NOTE] = True
    note_dur_idx = np.zeros(VOCAB, dtype=np.int32)
    note_pitch_idx = np.zeros(VOCAB, dtype=np.int32)
    ar = np.arange(N_NOTE)
    note_dur_idx[NOTE_START:NOTE_START + N_NOTE] = ar // N_PITCH
    note_pitch_idx[NOTE_START:NOTE_START + N_NOTE] = ar % N_PITCH
    other_idx = np.zeros(VOCAB, dtype=np.int32)
    other_idx[:N_SPECIAL] = np.arange(N_SPECIAL)
    other_idx[NOTE_START + N_NOTE:] = np.arange(N_SPECIAL, N_OTHER)
    return is_note, note_dur_idx, note_pitch_idx, other_idx


def setup_inputs(seed: int = 0) -> dict:
    key = jax.random.key(seed)
    k1, k2, k3, k4 = jax.random.split(key, 4)
    is_note, nd, npi, oi = _build_buffers()
    token_ids = jax.random.randint(k1, (B, S), 0, VOCAB, dtype=jnp.int32)
    dur_w = jax.random.normal(k2, (N_DUR, D_MODEL), dtype=jnp.float32) * 0.02
    pitch_w = jax.random.normal(k3, (N_PITCH, D_MODEL), dtype=jnp.float32) * 0.02
    other_w = jax.random.normal(k4, (N_OTHER, D_MODEL), dtype=jnp.float32) * 0.02
    return {
        'token_ids': token_ids,
        'is_note': jnp.asarray(is_note),
        'note_dur_idx': jnp.asarray(nd),
        'note_pitch_idx': jnp.asarray(npi),
        'other_idx': jnp.asarray(oi),
        'dur_w': dur_w,
        'pitch_w': pitch_w,
        'other_w': other_w,
    }


def reference(token_ids, is_note, note_dur_idx, note_pitch_idx, other_idx, dur_w, pitch_w, other_w):
    # per-token buffer gathers
    note_mask = jnp.take(is_note, token_ids, axis=0)
    dur_ids = jnp.take(note_dur_idx, token_ids, axis=0)
    pitch_ids = jnp.take(note_pitch_idx, token_ids, axis=0)
    oth_ids = jnp.take(other_idx, token_ids, axis=0)
    # CWT compound embedding: pitch_embed[j] + dur_embed[i] for note tokens
    note_emb = jnp.take(dur_w, dur_ids, axis=0) + jnp.take(pitch_w, pitch_ids, axis=0)
    other_emb = jnp.take(other_w, oth_ids, axis=0)
    # equivalent of masked writes into empty output buffer
    return jnp.where(note_mask[..., None], note_emb, other_emb)

if __name__ == "__main__":
    import jax
    _d = setup_inputs()
    print(jax.jit(kernel)(*tuple(_d.values())))

</pallas_src>

<mosaic_0001>
#map = affine_map<(d0, d1) -> (0, 0)>
#map1 = affine_map<(d0, d1) -> (0)>
module attributes {stable_mosaic.version = 14 : i64} {
  func.func @_sc_body(%arg0: i32, %arg1: i32, %arg2: memref<2048x1024xf32, #tpu.memory_space<hbm>>, %arg3: memref<32768xi32, #tpu.memory_space<hbm>>, %arg4: memref<32768x1024xf32, #tpu.memory_space<hbm>>, %arg5: memref<1024xi32, #tpu.memory_space<vmem>>, %arg6: memref<8x8x1024xf32, #tpu.memory_space<vmem>>, %arg7: memref<!tpu.dma_semaphore, #tpu.memory_space<semaphore_mem>>, %arg8: memref<!tpu.dma_semaphore, #tpu.memory_space<semaphore_mem>>, %arg9: memref<!tpu.dma_semaphore, #tpu.memory_space<semaphore_mem>>, %arg10: memref<!tpu.dma_semaphore, #tpu.memory_space<semaphore_mem>>, %arg11: memref<!tpu.dma_semaphore, #tpu.memory_space<semaphore_mem>>, %arg12: memref<!tpu.dma_semaphore, #tpu.memory_space<semaphore_mem>>, %arg13: memref<!tpu.dma_semaphore, #tpu.memory_space<semaphore_mem>>, %arg14: memref<!tpu.dma_semaphore, #tpu.memory_space<semaphore_mem>>, %arg15: memref<!tpu.dma_semaphore, #tpu.memory_space<semaphore_mem>>, %arg16: memref<!tpu.dma_semaphore, #tpu.memory_space<semaphore_mem>>, %arg17: memref<!tpu.dma_semaphore, #tpu.memory_space<semaphore_mem>>, %arg18: memref<!tpu.dma_semaphore, #tpu.memory_space<semaphore_mem>>, %arg19: memref<!tpu.dma_semaphore, #tpu.memory_space<semaphore_mem>>, %arg20: memref<!tpu.dma_semaphore, #tpu.memory_space<semaphore_mem>>, %arg21: memref<!tpu.dma_semaphore, #tpu.memory_space<semaphore_mem>>, %arg22: memref<!tpu.dma_semaphore, #tpu.memory_space<semaphore_mem>>) attributes {dimension_semantics = [#tpu.dimension_semantics<core_parallel>, #tpu.dimension_semantics<subcore_parallel>], iteration_bounds = array<i64: 2, 16>, scalar_prefetch = 0 : i64, scratch_operands = 18 : i64, tpu.core_type = #tpu.core_type<sc_vector_subcore>, window_params = [{transform_indices = #map}, {transform_indices = #map1}, {transform_indices = #map}]} {
    %mul3A = arith.constant 2 : i32
    %mul3A_0 = arith.muli %arg1, %mul3A : i32
    %add3A = arith.addi %mul3A_0, %arg0 : i32
    %mul3A_1 = arith.constant 1024 : i32
    %mul3A_2 = arith.muli %add3A, %mul3A_1 : i32
    "tpu.region"() ({
      %run_scoped3A = tpu.sem_alloc : memref<!tpu.dma_semaphore, #tpu.memory_space<semaphore_mem>>
      %dma_start3A_423 = tpu.memref_slice %arg3[%mul3A_2] : memref<32768xi32, #tpu.memory_space<hbm>> -> memref<1024xi32, #tpu.memory_space<hbm>>
      %dma_start3A_424 = tpu.memref_slice %arg3[%mul3A_2] : memref<32768xi32, #tpu.memory_space<hbm>> -> memref<1024xi32, #tpu.memory_space<hbm>>
      tpu.enqueue_dma source(%dma_start3A_424 : memref<1024xi32, #tpu.memory_space<hbm>>) target(%arg5 : memref<1024xi32, #tpu.memory_space<vmem>>) target_semaphore(%run_scoped3A : memref<!tpu.dma_semaphore, #tpu.memory_space<semaphore_mem>>)
      %dma_wait3A_425 = tpu.memref_slice %arg3[%mul3A_2] : memref<32768xi32, #tpu.memory_space<hbm>> -> memref<1024xi32, #tpu.memory_space<hbm>>
      %dma_wait3A_426 = tpu.memref_slice %arg3[%mul3A_2] : memref<32768xi32, #tpu.memory_space<hbm>> -> memref<1024xi32, #tpu.memory_space<hbm>>
      tpu.wait_dma2 semaphore(%run_scoped3A : memref<!tpu.dma_semaphore, #tpu.memory_space<semaphore_mem>>) src(%dma_wait3A_426 : memref<1024xi32, #tpu.memory_space<hbm>>) dst(%arg5 : memref<1024xi32, #tpu.memory_space<vmem>>)
      tpu.yield
    }) : () -> ()
    %jit3A = arith.constant 16 : i32
    %eq3A = arith.constant 0 : i32
    %eq3A_3 = arith.cmpi eq, %jit3A, %eq3A : i32
    %jit3A_4 = arith.constant 1 : i32
    %select_n3A = arith.select %eq3A_3, %jit3A_4, %jit3A : i32
    %rem3A = arith.remsi %add3A, %select_n3A : i32
    %ne3A = arith.constant 0 : i32
    %ne3A_5 = arith.cmpi ne, %rem3A, %ne3A : i32
    %lt3A = arith.constant 0 : i32
    %lt3A_6 = arith.cmpi slt, %rem3A, %lt3A : i32
    %lt3A_7 = arith.constant 0 : i32
    %lt3A_8 = arith.cmpi slt, %select_n3A, %lt3A_7 : i32
    %ne3A_9 = arith.xori %lt3A_6, %lt3A_8 : i1
    %and3A = arith.andi %ne3A_9, %ne3A_5 : i1
    %add3A_10 = arith.addi %rem3A, %select_n3A : i32
    %select_n3A_11 = arith.select %and3A, %add3A_10, %rem3A : i32
    %mul3A_12 = arith.constant 128 : i32
    %mul3A_13 = arith.muli %select_n3A_11, %mul3A_12 : i32
    %scan3A = arith.constant 0 : i32
    %scan3A_14 = arith.constant 0 : i32
    %scan3A_15 = arith.constant 64 : i32
    %scan3A_16 = arith.addi %scan3A_14, %scan3A_15 : i32
    %scan3A_17 = arith.constant 1 : i32
    scf.for %scan3A_423 = %scan3A_14 to %scan3A_16 step %scan3A_17  : i32 {
      %mul3A_424 = arith.constant 16 : i32
      %mul3A_425 = arith.muli %scan3A_423, %mul3A_424 : i32
      %get3A = arith.index_cast %mul3A_425 : i32 to index
      %get3A_426 = tpu.vector_load %arg5[%get3A] {strides = array<i32>} : memref<1024xi32, #tpu.memory_space<vmem>>, vector<16xi32>,
      %get3A_427 = vector.shape_cast %get3A_426 : vector<16xi32> to vector<16xi32>
      %add3A_428 = vector.broadcast %mul3A_13 : i32 to vector<16xi32>
      %add3A_429 = arith.addi %get3A_427, %add3A_428 : vector<16xi32>
      %mul3A_430 = arith.constant 16 : i32
      %mul3A_431 = arith.muli %scan3A_423, %mul3A_430 : i32
      %swap3A = arith.index_cast %mul3A_431 : i32 to index
      %swap3A_432 = tpu.vector_load %arg5[%swap3A] {strides = array<i32>} : memref<1024xi32, #tpu.memory_space<vmem>>, vector<16xi32>,
      %swap3A_433 = vector.shape_cast %swap3A_432 : vector<16xi32> to vector<16xi32>
      %swap3A_434 = vector.shape_cast %add3A_429 : vector<16xi32> to vector<16xi32>
      tpu.vector_store %arg5[%swap3A], %swap3A_434 {strides = array<i32>} : memref<1024xi32, #tpu.memory_space<vmem>>, vector<16xi32>,
    }
    %scan3A_18 = arith.constant 64 : i32
    %dma_start3A = arith.constant 0 : i32
    %dma_start3A_19 = arith.constant 0 : i32
    %dma_start3A_20 = arith.constant 0 : i32
    %dma_start3A_21 = tpu.memref_slice %arg6[%dma_start3A, %dma_start3A_19, %dma_start3A_20] : memref<8x8x1024xf32, #tpu.memory_space<vmem>> -> memref<1x8x1024xf32, #tpu.memory_space<vmem>>
    %dma_start3A_22 = tpu.memref_squeeze %dma_start3A_21 : memref<1x8x1024xf32, #tpu.memory_space<vmem>> -> memref<8x1024xf32, #tpu.memory_space<vmem>>
    %dma_start3A_23 = arith.constant 0 : i32
    %dma_start3A_24 = tpu.memref_slice %arg5[%dma_start3A_23] : memref<1024xi32, #tpu.memory_space<vmem>> -> memref<8xi32, #tpu.memory_space<vmem>>
    %dma_start3A_25 = arith.constant 0 : i32
    %dma_start3A_26 = arith.constant 0 : i32
    %dma_start3A_27 = tpu.memref_slice %arg2[%dma_start3A_25, %dma_start3A_26] : memref<2048x1024xf32, #tpu.memory_space<hbm>> -> memref<2048x1024xf32, #tpu.memory_space<hbm>>
    tpu.enqueue_indirect_dma source(%dma_start3A_27 : memref<2048x1024xf32, #tpu.memory_space<hbm>>) target(%dma_start3A_22 : memref<8x1024xf32, #tpu.memory_space<vmem>>) offsets(%dma_start3A_24 : memref<8xi32, #tpu.memory_space<vmem>>) semaphore(%arg7 : memref<!tpu.dma_semaphore, #tpu.memory_space<semaphore_mem>>)
    %dma_start3A_28 = arith.constant 1 : i32
    %dma_start3A_29 = arith.constant 0 : i32
    %dma_start3A_30 = arith.constant 0 : i32
    %dma_start3A_31 = tpu.memref_slice %arg6[%dma_start3A_28, %dma_start3A_29, %dma_start3A_30] : memref<8x8x1024xf32, #tpu.memory_space<vmem>> -> memref<1x8x1024xf32, #tpu.memory_space<vmem>>
    %dma_start3A_32 = tpu.memref_squeeze %dma_start3A_31 : memref<1x8x1024xf32, #tpu.memory_space<vmem>> -> memref<8x1024xf32, #tpu.memory_space<vmem>>
    %dma_start3A_33 = arith.constant 8 : i32
    %dma_start3A_34 = tpu.memref_slice %arg5[%dma_start3A_33] : memref<1024xi32, #tpu.memory_space<vmem>> -> memref<8xi32, #tpu.memory_space<vmem>>
    %dma_start3A_35 = arith.constant 0 : i32
    %dma_start3A_36 = arith.constant 0 : i32
    %dma_start3A_37 = tpu.memref_slice %arg2[%dma_start3A_35, %dma_start3A_36] : memref<2048x1024xf32, #tpu.memory_space<hbm>> -> memref<2048x1024xf32, #tpu.memory_space<hbm>>
    tpu.enqueue_indirect_dma source(%dma_start3A_37 : memref<2048x1024xf32, #tpu.memory_space<hbm>>) target(%dma_start3A_32 : memref<8x1024xf32, #tpu.memory_space<vmem>>) offsets(%dma_start3A_34 : memref<8xi32, #tpu.memory_space<vmem>>) semaphore(%arg8 : memref<!tpu.dma_semaphore, #tpu.memory_space<semaphore_mem>>)
    %dma_start3A_38 = arith.constant 2 : i32
    %dma_start3A_39 = arith.constant 0 : i32
    %dma_start3A_40 = arith.constant 0 : i32
    %dma_start3A_41 = tpu.memref_slice %arg6[%dma_start3A_38, %dma_start3A_39, %dma_start3A_40] : memref<8x8x1024xf32, #tpu.memory_space<vmem>> -> memref<1x8x1024xf32, #tpu.memory_space<vmem>>
    %dma_start3A_42 = tpu.memref_squeeze %dma_start3A_41 : memref<1x8x1024xf32, #tpu.memory_space<vmem>> -> memref<8x1024xf32, #tpu.memory_space<vmem>>
    %dma_start3A_43 = arith.constant 16 : i32
    %dma_start3A_44 = tpu.memref_slice %arg5[%dma_start3A_43] : memref<1024xi32, #tpu.memory_space<vmem>> -> memref<8xi32, #tpu.memory_space<vmem>>
    %dma_start3A_45 = arith.constant 0 : i32
    %dma_start3A_46 = arith.constant 0 : i32
    %dma_start3A_47 = tpu.memref_slice %arg2[%dma_start3A_45, %dma_start3A_46] : memref<2048x1024xf32, #tpu.memory_space<hbm>> -> memref<2048x1024xf32, #tpu.memory_space<hbm>>
    tpu.enqueue_indirect_dma source(%dma_start3A_47 : memref<2048x1024xf32, #tpu.memory_space<hbm>>) target(%dma_start3A_42 : memref<8x1024xf32, #tpu.memory_space<vmem>>) offsets(%dma_start3A_44 : memref<8xi32, #tpu.memory_space<vmem>>) semaphore(%arg9 : memref<!tpu.dma_semaphore, #tpu.memory_space<semaphore_mem>>)
    %dma_start3A_48 = arith.constant 3 : i32
    %dma_start3A_49 = arith.constant 0 : i32
    %dma_start3A_50 = arith.constant 0 : i32
    %dma_start3A_51 = tpu.memref_slice %arg6[%dma_start3A_48, %dma_start3A_49, %dma_start3A_50] : memref<8x8x1024xf32, #tpu.memory_space<vmem>> -> memref<1x8x1024xf32, #tpu.memory_space<vmem>>
    %dma_start3A_52 = tpu.memref_squeeze %dma_start3A_51 : memref<1x8x1024xf32, #tpu.memory_space<vmem>> -> memref<8x1024xf32, #tpu.memory_space<vmem>>
    %dma_start3A_53 = arith.constant 24 : i32
    %dma_start3A_54 = tpu.memref_slice %arg5[%dma_start3A_53] : memref<1024xi32, #tpu.memory_space<vmem>> -> memref<8xi32, #tpu.memory_space<vmem>>
    %dma_start3A_55 = arith.constant 0 : i32
    %dma_start3A_56 = arith.constant 0 : i32
    %dma_start3A_57 = tpu.memref_slice %arg2[%dma_start3A_55, %dma_start3A_56] : memref<2048x1024xf32, #tpu.memory_space<hbm>> -> memref<2048x1024xf32, #tpu.memory_space<hbm>>
    tpu.enqueue_indirect_dma source(%dma_start3A_57 : memref<2048x1024xf32, #tpu.memory_space<hbm>>) target(%dma_start3A_52 : memref<8x1024xf32, #tpu.memory_space<vmem>>) offsets(%dma_start3A_54 : memref<8xi32, #tpu.memory_space<vmem>>) semaphore(%arg10 : memref<!tpu.dma_semaphore, #tpu.memory_space<semaphore_mem>>)
    %dma_start3A_58 = arith.constant 4 : i32
    %dma_start3A_59 = arith.constant 0 : i32
    %dma_start3A_60 = arith.constant 0 : i32
    %dma_start3A_61 = tpu.memref_slice %arg6[%dma_start3A_58, %dma_start3A_59, %dma_start3A_60] : memref<8x8x1024xf32, #tpu.memory_space<vmem>> -> memref<1x8x1024xf32, #tpu.memory_space<vmem>>
    %dma_start3A_62 = tpu.memref_squeeze %dma_start3A_61 : memref<1x8x1024xf32, #tpu.memory_space<vmem>> -> memref<8x1024xf32, #tpu.memory_space<vmem>>
    %dma_start3A_63 = arith.constant 32 : i32
    %dma_start3A_64 = tpu.memref_slice %arg5[%dma_start3A_63] : memref<1024xi32, #tpu.memory_space<vmem>> -> memref<8xi32, #tpu.memory_space<vmem>>
    %dma_start3A_65 = arith.constant 0 : i32
    %dma_start3A_66 = arith.constant 0 : i32
    %dma_start3A_67 = tpu.memref_slice %arg2[%dma_start3A_65, %dma_start3A_66] : memref<2048x1024xf32, #tpu.memory_space<hbm>> -> memref<2048x1024xf32, #tpu.memory_space<hbm>>
    tpu.enqueue_indirect_dma source(%dma_start3A_67 : memref<2048x1024xf32, #tpu.memory_space<hbm>>) target(%dma_start3A_62 : memref<8x1024xf32, #tpu.memory_space<vmem>>) offsets(%dma_start3A_64 : memref<8xi32, #tpu.memory_space<vmem>>) semaphore(%arg11 : memref<!tpu.dma_semaphore, #tpu.memory_space<semaphore_mem>>)
    %dma_start3A_68 = arith.constant 5 : i32
    %dma_start3A_69 = arith.constant 0 : i32
    %dma_start3A_70 = arith.constant 0 : i32
    %dma_start3A_71 = tpu.memref_slice %arg6[%dma_start3A_68, %dma_start3A_69, %dma_start3A_70] : memref<8x8x1024xf32, #tpu.memory_space<vmem>> -> memref<1x8x1024xf32, #tpu.memory_space<vmem>>
    %dma_start3A_72 = tpu.memref_squeeze %dma_start3A_71 : memref<1x8x1024xf32, #tpu.memory_space<vmem>> -> memref<8x1024xf32, #tpu.memory_space<vmem>>
    %dma_start3A_73 = arith.constant 40 : i32
    %dma_start3A_74 = tpu.memref_slice %arg5[%dma_start3A_73] : memref<1024xi32, #tpu.memory_space<vmem>> -> memref<8xi32, #tpu.memory_space<vmem>>
    %dma_start3A_75 = arith.constant 0 : i32
    %dma_start3A_76 = arith.constant 0 : i32
    %dma_start3A_77 = tpu.memref_slice %arg2[%dma_start3A_75, %dma_start3A_76] : memref<2048x1024xf32, #tpu.memory_space<hbm>> -> memref<2048x1024xf32, #tpu.memory_space<hbm>>
    tpu.enqueue_indirect_dma source(%dma_start3A_77 : memref<2048x1024xf32, #tpu.memory_space<hbm>>) target(%dma_start3A_72 : memref<8x1024xf32, #tpu.memory_space<vmem>>) offsets(%dma_start3A_74 : memref<8xi32, #tpu.memory_space<vmem>>) semaphore(%arg12 : memref<!tpu.dma_semaphore, #tpu.memory_space<semaphore_mem>>)
    %dma_start3A_78 = arith.constant 6 : i32
    %dma_start3A_79 = arith.constant 0 : i32
    %dma_start3A_80 = arith.constant 0 : i32
    %dma_start3A_81 = tpu.memref_slice %arg6[%dma_start3A_78, %dma_start3A_79, %dma_start3A_80] : memref<8x8x1024xf32, #tpu.memory_space<vmem>> -> memref<1x8x1024xf32, #tpu.memory_space<vmem>>
    %dma_start3A_82 = tpu.memref_squeeze %dma_start3A_81 : memref<1x8x1024xf32, #tpu.memory_space<vmem>> -> memref<8x1024xf32, #tpu.memory_space<vmem>>
    %dma_start3A_83 = arith.constant 48 : i32
    %dma_start3A_84 = tpu.memref_slice %arg5[%dma_start3A_83] : memref<1024xi32, #tpu.memory_space<vmem>> -> memref<8xi32, #tpu.memory_space<vmem>>
    %dma_start3A_85 = arith.constant 0 : i32
    %dma_start3A_86 = arith.constant 0 : i32
    %dma_start3A_87 = tpu.memref_slice %arg2[%dma_start3A_85, %dma_start3A_86] : memref<2048x1024xf32, #tpu.memory_space<hbm>> -> memref<2048x1024xf32, #tpu.memory_space<hbm>>
    tpu.enqueue_indirect_dma source(%dma_start3A_87 : memref<2048x1024xf32, #tpu.memory_space<hbm>>) target(%dma_start3A_82 : memref<8x1024xf32, #tpu.memory_space<vmem>>) offsets(%dma_start3A_84 : memref<8xi32, #tpu.memory_space<vmem>>) semaphore(%arg13 : memref<!tpu.dma_semaphore, #tpu.memory_space<semaphore_mem>>)
    %dma_start3A_88 = arith.constant 7 : i32
    %dma_start3A_89 = arith.constant 0 : i32
    %dma_start3A_90 = arith.constant 0 : i32
    %dma_start3A_91 = tpu.memref_slice %arg6[%dma_start3A_88, %dma_start3A_89, %dma_start3A_90] : memref<8x8x1024xf32, #tpu.memory_space<vmem>> -> memref<1x8x1024xf32, #tpu.memory_space<vmem>>
    %dma_start3A_92 = tpu.memref_squeeze %dma_start3A_91 : memref<1x8x1024xf32, #tpu.memory_space<vmem>> -> memref<8x1024xf32, #tpu.memory_space<vmem>>
    %dma_start3A_93 = arith.constant 56 : i32
    %dma_start3A_94 = tpu.memref_slice %arg5[%dma_start3A_93] : memref<1024xi32, #tpu.memory_space<vmem>> -> memref<8xi32, #tpu.memory_space<vmem>>
    %dma_start3A_95 = arith.constant 0 : i32
    %dma_start3A_96 = arith.constant 0 : i32
    %dma_start3A_97 = tpu.memref_slice %arg2[%dma_start3A_95, %dma_start3A_96] : memref<2048x1024xf32, #tpu.memory_space<hbm>> -> memref<2048x1024xf32, #tpu.memory_space<hbm>>
    tpu.enqueue_indirect_dma source(%dma_start3A_97 : memref<2048x1024xf32, #tpu.memory_space<hbm>>) target(%dma_start3A_92 : memref<8x1024xf32, #tpu.memory_space<vmem>>) offsets(%dma_start3A_94 : memref<8xi32, #tpu.memory_space<vmem>>) semaphore(%arg14 : memref<!tpu.dma_semaphore, #tpu.memory_space<semaphore_mem>>)
    %dma_wait3A = arith.constant 0 : i32
    %dma_wait3A_98 = arith.constant 0 : i32
    %dma_wait3A_99 = arith.constant 0 : i32
    %dma_wait3A_100 = tpu.memref_slice %arg6[%dma_wait3A, %dma_wait3A_98, %dma_wait3A_99] : memref<8x8x1024xf32, #tpu.memory_space<vmem>> -> memref<1x8x1024xf32, #tpu.memory_space<vmem>>
    %dma_wait3A_101 = tpu.memref_squeeze %dma_wait3A_100 : memref<1x8x1024xf32, #tpu.memory_space<vmem>> -> memref<8x1024xf32, #tpu.memory_space<vmem>>
    %dma_wait3A_102 = arith.constant 0 : i32
    %dma_wait3A_103 = tpu.memref_slice %arg5[%dma_wait3A_102] : memref<1024xi32, #tpu.memory_space<vmem>> -> memref<8xi32, #tpu.memory_space<vmem>>
    %dma_wait3A_104 = arith.constant 0 : i32
    %dma_wait3A_105 = arith.constant 0 : i32
    %dma_wait3A_106 = tpu.memref_slice %arg2[%dma_wait3A_104, %dma_wait3A_105] : memref<2048x1024xf32, #tpu.memory_space<hbm>> -> memref<2048x1024xf32, #tpu.memory_space<hbm>>
    tpu.wait_indirect_dma semaphore(%arg7 : memref<!tpu.dma_semaphore, #tpu.memory_space<semaphore_mem>>) src(%dma_wait3A_106 : memref<2048x1024xf32, #tpu.memory_space<hbm>>) dst(%dma_wait3A_101 : memref<8x1024xf32, #tpu.memory_space<vmem>>)
    %add3A_107 = arith.constant 0 : i32
    %add3A_108 = arith.addi %mul3A_2, %add3A_107 : i32
    %dma_start3A_109 = arith.constant 0 : i32
    %dma_start3A_110 = arith.constant 0 : i32
    %dma_start3A_111 = arith.constant 0 : i32
    %dma_start3A_112 = tpu.memref_slice %arg6[%dma_start3A_109, %dma_start3A_110, %dma_start3A_111] : memref<8x8x1024xf32, #tpu.memory_space<vmem>> -> memref<1x8x1024xf32, #tpu.memory_space<vmem>>
    %dma_start3A_113 = tpu.memref_squeeze %dma_start3A_112 : memref<1x8x1024xf32, #tpu.memory_space<vmem>> -> memref<8x1024xf32, #tpu.memory_space<vmem>>
    %dma_start3A_114 = arith.constant 0 : i32
    %dma_start3A_115 = tpu.memref_slice %arg4[%add3A_108, %dma_start3A_114] : memref<32768x1024xf32, #tpu.memory_space<hbm>> -> memref<8x1024xf32, #tpu.memory_space<hbm>>
    %dma_start3A_116 = arith.constant 0 : i32
    %dma_start3A_117 = tpu.memref_slice %arg4[%add3A_108, %dma_start3A_116] : memref<32768x1024xf32, #tpu.memory_space<hbm>> -> memref<8x1024xf32, #tpu.memory_space<hbm>>
    %dma_start3A_118 = arith.constant 0 : i32
    %dma_start3A_119 = arith.constant 0 : i32
    %dma_start3A_120 = tpu.memref_slice %arg6[%dma_start3A_109, %dma_start3A_118, %dma_start3A_119] : memref<8x8x1024xf32, #tpu.memory_space<vmem>> -> memref<1x8x1024xf32, #tpu.memory_space<vmem>>
    %dma_start3A_121 = tpu.memref_squeeze %dma_start3A_120 : memref<1x8x1024xf32, #tpu.memory_space<vmem>> -> memref<8x1024xf32, #tpu.memory_space<vmem>>
    tpu.enqueue_dma source(%dma_start3A_121 : memref<8x1024xf32, #tpu.memory_space<vmem>>) target(%dma_start3A_117 : memref<8x1024xf32, #tpu.memory_space<hbm>>) target_semaphore(%arg15 : memref<!tpu.dma_semaphore, #tpu.memory_space<semaphore_mem>>)
    %dma_wait3A_122 = arith.constant 1 : i32
    %dma_wait3A_123 = arith.constant 0 : i32
    %dma_wait3A_124 = arith.constant 0 : i32
    %dma_wait3A_125 = tpu.memref_slice %arg6[%dma_wait3A_122, %dma_wait3A_123, %dma_wait3A_124] : memref<8x8x1024xf32, #tpu.memory_space<vmem>> -> memref<1x8x1024xf32, #tpu.memory_space<vmem>>
    %dma_wait3A_126 = tpu.memref_squeeze %dma_wait3A_125 : memref<1x8x1024xf32, #tpu.memory_space<vmem>> -> memref<8x1024xf32, #tpu.memory_space<vmem>>
    %dma_wait3A_127 = arith.constant 8 : i32
    %dma_wait3A_128 = tpu.memref_slice %arg5[%dma_wait3A_127] : memref<1024xi32, #tpu.memory_space<vmem>> -> memref<8xi32, #tpu.memory_space<vmem>>
    %dma_wait3A_129 = arith.constant 0 : i32
    %dma_wait3A_130 = arith.constant 0 : i32
    %dma_wait3A_131 = tpu.memref_slice %arg2[%dma_wait3A_129, %dma_wait3A_130] : memref<2048x1024xf32, #tpu.memory_space<hbm>> -> memref<2048x1024xf32, #tpu.memory_space<hbm>>
    tpu.wait_indirect_dma semaphore(%arg8 : memref<!tpu.dma_semaphore, #tpu.memory_space<semaphore_mem>>) src(%dma_wait3A_131 : memref<2048x1024xf32, #tpu.memory_space<hbm>>) dst(%dma_wait3A_126 : memref<8x1024xf32, #tpu.memory_space<vmem>>)
    %add3A_132 = arith.constant 8 : i32
    %add3A_133 = arith.addi %mul3A_2, %add3A_132 : i32
    %dma_start3A_134 = arith.constant 1 : i32
    %dma_start3A_135 = arith.constant 0 : i32
    %dma_start3A_136 = arith.constant 0 : i32
    %dma_start3A_137 = tpu.memref_slice %arg6[%dma_start3A_134, %dma_start3A_135, %dma_start3A_136] : memref<8x8x1024xf32, #tpu.memory_space<vmem>> -> memref<1x8x1024xf32, #tpu.memory_space<vmem>>
    %dma_start3A_138 = tpu.memref_squeeze %dma_start3A_137 : memref<1x8x1024xf32, #tpu.memory_space<vmem>> -> memref<8x1024xf32, #tpu.memory_space<vmem>>
    %dma_start3A_139 = arith.constant 0 : i32
    %dma_start3A_140 = tpu.memref_slice %arg4[%add3A_133, %dma_start3A_139] : memref<32768x1024xf32, #tpu.memory_space<hbm>> -> memref<8x1024xf32, #tpu.memory_space<hbm>>
    %dma_start3A_141 = arith.constant 0 : i32
    %dma_start3A_142 = tpu.memref_slice %arg4[%add3A_133, %dma_start3A_141] : memref<32768x1024xf32, #tpu.memory_space<hbm>> -> memref<8x1024xf32, #tpu.memory_space<hbm>>
    %dma_start3A_143 = arith.constant 0 : i32
    %dma_start3A_144 = arith.constant 0 : i32
    %dma_start3A_145 = tpu.memref_slice %arg6[%dma_start3A_134, %dma_start3A_143, %dma_start3A_144] : memref<8x8x1024xf32, #tpu.memory_space<vmem>> -> memref<1x8x1024xf32, #tpu.memory_space<vmem>>
    %dma_start3A_146 = tpu.memref_squeeze %dma_start3A_145 : memref<1x8x1024xf32, #tpu.memory_space<vmem>> -> memref<8x1024xf32, #tpu.memory_space<vmem>>
    tpu.enqueue_dma source(%dma_start3A_146 : memref<8x1024xf32, #tpu.memory_space<vmem>>) target(%dma_start3A_142 : memref<8x1024xf32, #tpu.memory_space<hbm>>) target_semaphore(%arg16 : memref<!tpu.dma_semaphore, #tpu.memory_space<semaphore_mem>>)
    %dma_wait3A_147 = arith.constant 2 : i32
    %dma_wait3A_148 = arith.constant 0 : i32
    %dma_wait3A_149 = arith.constant 0 : i32
    %dma_wait3A_150 = tpu.memref_slice %arg6[%dma_wait3A_147, %dma_wait3A_148, %dma_wait3A_149] : memref<8x8x1024xf32, #tpu.memory_space<vmem>> -> memref<1x8x1024xf32, #tpu.memory_space<vmem>>
    %dma_wait3A_151 = tpu.memref_squeeze %dma_wait3A_150 : memref<1x8x1024xf32, #tpu.memory_space<vmem>> -> memref<8x1024xf32, #tpu.memory_space<vmem>>
    %dma_wait3A_152 = arith.constant 16 : i32
    %dma_wait3A_153 = tpu.memref_slice %arg5[%dma_wait3A_152] : memref<1024xi32, #tpu.memory_space<vmem>> -> memref<8xi32, #tpu.memory_space<vmem>>
    %dma_wait3A_154 = arith.constant 0 : i32
    %dma_wait3A_155 = arith.constant 0 : i32
    %dma_wait3A_156 = tpu.memref_slice %arg2[%dma_wait3A_154, %dma_wait3A_155] : memref<2048x1024xf32, #tpu.memory_space<hbm>> -> memref<2048x1024xf32, #tpu.memory_space<hbm>>
    tpu.wait_indirect_dma semaphore(%arg9 : memref<!tpu.dma_semaphore, #tpu.memory_space<semaphore_mem>>) src(%dma_wait3A_156 : memref<2048x1024xf32, #tpu.memory_space<hbm>>) dst(%dma_wait3A_151 : memref<8x1024xf32, #tpu.memory_space<vmem>>)
    %add3A_157 = arith.constant 16 : i32
    %add3A_158 = arith.addi %mul3A_2, %add3A_157 : i32
    %dma_start3A_159 = arith.constant 2 : i32
    %dma_start3A_160 = arith.constant 0 : i32
    %dma_start3A_161 = arith.constant 0 : i32
    %dma_start3A_162 = tpu.memref_slice %arg6[%dma_start3A_159, %dma_start3A_160, %dma_start3A_161] : memref<8x8x1024xf32, #tpu.memory_space<vmem>> -> memref<1x8x1024xf32, #tpu.memory_space<vmem>>
    %dma_start3A_163 = tpu.memref_squeeze %dma_start3A_162 : memref<1x8x1024xf32, #tpu.memory_space<vmem>> -> memref<8x1024xf32, #tpu.memory_space<vmem>>
    %dma_start3A_164 = arith.constant 0 : i32
    %dma_start3A_165 = tpu.memref_slice %arg4[%add3A_158, %dma_start3A_164] : memref<32768x1024xf32, #tpu.memory_space<hbm>> -> memref<8x1024xf32, #tpu.memory_space<hbm>>
    %dma_start3A_166 = arith.constant 0 : i32
    %dma_start3A_167 = tpu.memref_slice %arg4[%add3A_158, %dma_start3A_166] : memref<32768x1024xf32, #tpu.memory_space<hbm>> -> memref<8x1024xf32, #tpu.memory_space<hbm>>
    %dma_start3A_168 = arith.constant 0 : i32
    %dma_start3A_169 = arith.constant 0 : i32
    %dma_start3A_170 = tpu.memref_slice %arg6[%dma_start3A_159, %dma_start3A_168, %dma_start3A_169] : memref<8x8x1024xf32, #tpu.memory_space<vmem>> -> memref<1x8x1024xf32, #tpu.memory_space<vmem>>
    %dma_start3A_171 = tpu.memref_squeeze %dma_start3A_170 : memref<1x8x1024xf32, #tpu.memory_space<vmem>> -> memref<8x1024xf32, #tpu.memory_space<vmem>>
    tpu.enqueue_dma source(%dma_start3A_171 : memref<8x1024xf32, #tpu.memory_space<vmem>>) target(%dma_start3A_167 : memref<8x1024xf32, #tpu.memory_space<hbm>>) target_semaphore(%arg17 : memref<!tpu.dma_semaphore, #tpu.memory_space<semaphore_mem>>)
    %dma_wait3A_172 = arith.constant 3 : i32
    %dma_wait3A_173 = arith.constant 0 : i32
    %dma_wait3A_174 = arith.constant 0 : i32
    %dma_wait3A_175 = tpu.memref_slice %arg6[%dma_wait3A_172, %dma_wait3A_173, %dma_wait3A_174] : memref<8x8x1024xf32, #tpu.memory_space<vmem>> -> memref<1x8x1024xf32, #tpu.memory_space<vmem>>
    %dma_wait3A_176 = tpu.memref_squeeze %dma_wait3A_175 : memref<1x8x1024xf32, #tpu.memory_space<vmem>> -> memref<8x1024xf32, #tpu.memory_space<vmem>>
    %dma_wait3A_177 = arith.constant 24 : i32
    %dma_wait3A_178 = tpu.memref_slice %arg5[%dma_wait3A_177] : memref<1024xi32, #tpu.memory_space<vmem>> -> memref<8xi32, #tpu.memory_space<vmem>>
    %dma_wait3A_179 = arith.constant 0 : i32
    %dma_wait3A_180 = arith.constant 0 : i32
    %dma_wait3A_181 = tpu.memref_slice %arg2[%dma_wait3A_179, %dma_wait3A_180] : memref<2048x1024xf32, #tpu.memory_space<hbm>> -> memref<2048x1024xf32, #tpu.memory_space<hbm>>
    tpu.wait_indirect_dma semaphore(%arg10 : memref<!tpu.dma_semaphore, #tpu.memory_space<semaphore_mem>>) src(%dma_wait3A_181 : memref<2048x1024xf32, #tpu.memory_space<hbm>>) dst(%dma_wait3A_176 : memref<8x1024xf32, #tpu.memory_space<vmem>>)
    %add3A_182 = arith.constant 24 : i32
    %add3A_183 = arith.addi %mul3A_2, %add3A_182 : i32
    %dma_start3A_184 = arith.constant 3 : i32
    %dma_start3A_185 = arith.constant 0 : i32
    %dma_start3A_186 = arith.constant 0 : i32
    %dma_start3A_187 = tpu.memref_slice %arg6[%dma_start3A_184, %dma_start3A_185, %dma_start3A_186] : memref<8x8x1024xf32, #tpu.memory_space<vmem>> -> memref<1x8x1024xf32, #tpu.memory_space<vmem>>
    %dma_start3A_188 = tpu.memref_squeeze %dma_start3A_187 : memref<1x8x1024xf32, #tpu.memory_space<vmem>> -> memref<8x1024xf32, #tpu.memory_space<vmem>>
    %dma_start3A_189 = arith.constant 0 : i32
    %dma_start3A_190 = tpu.memref_slice %arg4[%add3A_183, %dma_start3A_189] : memref<32768x1024xf32, #tpu.memory_space<hbm>> -> memref<8x1024xf32, #tpu.memory_space<hbm>>
    %dma_start3A_191 = arith.constant 0 : i32
    %dma_start3A_192 = tpu.memref_slice %arg4[%add3A_183, %dma_start3A_191] : memref<32768x1024xf32, #tpu.memory_space<hbm>> -> memref<8x1024xf32, #tpu.memory_space<hbm>>
    %dma_start3A_193 = arith.constant 0 : i32
    %dma_start3A_194 = arith.constant 0 : i32
    %dma_start3A_195 = tpu.memref_slice %arg6[%dma_start3A_184, %dma_start3A_193, %dma_start3A_194] : memref<8x8x1024xf32, #tpu.memory_space<vmem>> -> memref<1x8x1024xf32, #tpu.memory_space<vmem>>
    %dma_start3A_196 = tpu.memref_squeeze %dma_start3A_195 : memref<1x8x1024xf32, #tpu.memory_space<vmem>> -> memref<8x1024xf32, #tpu.memory_space<vmem>>
    tpu.enqueue_dma source(%dma_start3A_196 : memref<8x1024xf32, #tpu.memory_space<vmem>>) target(%dma_start3A_192 : memref<8x1024xf32, #tpu.memory_space<hbm>>) target_semaphore(%arg18 : memref<!tpu.dma_semaphore, #tpu.memory_space<semaphore_mem>>)
    %scan3A_197 = arith.constant 0 : i32
    %scan3A_198 = arith.constant 1 : i32
    %scan3A_199 = arith.constant 15 : i32
    %scan3A_200 = arith.addi %scan3A_198, %scan3A_199 : i32
    %scan3A_201 = arith.constant 1 : i32
    scf.for %scan3A_423 = %scan3A_198 to %scan3A_200 step %scan3A_201  : i32 {
      %mul3A_424 = arith.constant 8 : i32
      %mul3A_425 = arith.muli %mul3A_424, %scan3A_423 : i32
      %add3A_426 = arith.constant 0 : i32
      %add3A_427 = arith.addi %mul3A_425, %add3A_426 : i32
      %sub3A = arith.constant 8 : i32
      %sub3A_428 = arith.subi %add3A_427, %sub3A : i32
      %mul3A_429 = arith.constant 8 : i32
      %mul3A_430 = arith.muli %sub3A_428, %mul3A_429 : i32
      %add3A_431 = arith.addi %mul3A_2, %mul3A_430 : i32
      %dma_wait3A_432 = arith.constant 0 : i32
      %dma_wait3A_433 = arith.constant 0 : i32
      %dma_wait3A_434 = arith.constant 0 : i32
      %dma_wait3A_435 = tpu.memref_slice %arg6[%dma_wait3A_432, %dma_wait3A_433, %dma_wait3A_434] : memref<8x8x1024xf32, #tpu.memory_space<vmem>> -> memref<1x8x1024xf32, #tpu.memory_space<vmem>>
      %dma_wait3A_436 = tpu.memref_squeeze %dma_wait3A_435 : memref<1x8x1024xf32, #tpu.memory_space<vmem>> -> memref<8x1024xf32, #tpu.memory_space<vmem>>
      %dma_wait3A_437 = arith.constant 0 : i32
      %dma_wait3A_438 = tpu.memref_slice %arg4[%add3A_431, %dma_wait3A_437] : memref<32768x1024xf32, #tpu.memory_space<hbm>> -> memref<8x1024xf32, #tpu.memory_space<hbm>>
      %dma_wait3A_439 = arith.constant 0 : i32
      %dma_wait3A_440 = tpu.memref_slice %arg4[%add3A_431, %dma_wait3A_439] : memref<32768x1024xf32, #tpu.memory_space<hbm>> -> memref<8x1024xf32, #tpu.memory_space<hbm>>
      %dma_wait3A_441 = arith.constant 0 : i32
      %dma_wait3A_442 = arith.constant 0 : i32
      %dma_wait3A_443 = tpu.memref_slice %arg6[%dma_wait3A_432, %dma_wait3A_441, %dma_wait3A_442] : memref<8x8x1024xf32, #tpu.memory_space<vmem>> -> memref<1x8x1024xf32, #tpu.memory_space<vmem>>
      %dma_wait3A_444 = tpu.memref_squeeze %dma_wait3A_443 : memref<1x8x1024xf32, #tpu.memory_space<vmem>> -> memref<8x1024xf32, #tpu.memory_space<vmem>>
      tpu.wait_dma2 semaphore(%arg15 : memref<!tpu.dma_semaphore, #tpu.memory_space<semaphore_mem>>) src(%dma_wait3A_444 : memref<8x1024xf32, #tpu.memory_space<vmem>>) dst(%dma_wait3A_440 : memref<8x1024xf32, #tpu.memory_space<hbm>>)
      %mul3A_445 = arith.constant 8 : i32
      %mul3A_446 = arith.muli %add3A_427, %mul3A_445 : i32
      %dma_start3A_447 = arith.constant 0 : i32
      %dma_start3A_448 = arith.constant 0 : i32
      %dma_start3A_449 = arith.constant 0 : i32
      %dma_start3A_450 = tpu.memref_slice %arg6[%dma_start3A_447, %dma_start3A_448, %dma_start3A_449] : memref<8x8x1024xf32, #tpu.memory_space<vmem>> -> memref<1x8x1024xf32, #tpu.memory_space<vmem>>
      %dma_start3A_451 = tpu.memref_squeeze %dma_start3A_450 : memref<1x8x1024xf32, #tpu.memory_space<vmem>> -> memref<8x1024xf32, #tpu.memory_space<vmem>>
      %dma_start3A_452 = tpu.memref_slice %arg5[%mul3A_446] : memref<1024xi32, #tpu.memory_space<vmem>> -> memref<8xi32, #tpu.memory_space<vmem>>
      %dma_start3A_453 = arith.constant 0 : i32
      %dma_start3A_454 = arith.constant 0 : i32
      %dma_start3A_455 = tpu.memref_slice %arg2[%dma_start3A_453, %dma_start3A_454] : memref<2048x1024xf32, #tpu.memory_space<hbm>> -> memref<2048x1024xf32, #tpu.memory_space<hbm>>
      tpu.enqueue_indirect_dma source(%dma_start3A_455 : memref<2048x1024xf32, #tpu.memory_space<hbm>>) target(%dma_start3A_451 : memref<8x1024xf32, #tpu.memory_space<vmem>>) offsets(%dma_start3A_452 : memref<8xi32, #tpu.memory_space<vmem>>) semaphore(%arg7 : memref<!tpu.dma_semaphore, #tpu.memory_space<semaphore_mem>>)
      %sub3A_456 = arith.constant 4 : i32
      %sub3A_457 = arith.subi %add3A_427, %sub3A_456 : i32
      %mul3A_458 = arith.constant 8 : i32
      %mul3A_459 = arith.muli %sub3A_457, %mul3A_458 : i32
      %dma_wait3A_460 = arith.constant 4 : i32
      %dma_wait3A_461 = arith.constant 0 : i32
      %dma_wait3A_462 = arith.constant 0 : i32
      %dma_wait3A_463 = tpu.memref_slice %arg6[%dma_wait3A_460, %dma_wait3A_461, %dma_wait3A_462] : memref<8x8x1024xf32, #tpu.memory_space<vmem>> -> memref<1x8x1024xf32, #tpu.memory_space<vmem>>
      %dma_wait3A_464 = tpu.memref_squeeze %dma_wait3A_463 : memref<1x8x1024xf32, #tpu.memory_space<vmem>> -> memref<8x1024xf32, #tpu.memory_space<vmem>>
      %dma_wait3A_465 = tpu.memref_slice %arg5[%mul3A_459] : memref<1024xi32, #tpu.memory_space<vmem>> -> memref<8xi32, #tpu.memory_space<vmem>>
      %dma_wait3A_466 = arith.constant 0 : i32
      %dma_wait3A_467 = arith.constant 0 : i32
      %dma_wait3A_468 = tpu.memref_slice %arg2[%dma_wait3A_466, %dma_wait3A_467] : memref<2048x1024xf32, #tpu.memory_space<hbm>> -> memref<2048x1024xf32, #tpu.memory_space<hbm>>
      tpu.wait_indirect_dma semaphore(%arg11 : memref<!tpu.dma_semaphore, #tpu.memory_space<semaphore_mem>>) src(%dma_wait3A_468 : memref<2048x1024xf32, #tpu.memory_space<hbm>>) dst(%dma_wait3A_464 : memref<8x1024xf32, #tpu.memory_space<vmem>>)
      %mul3A_469 = arith.constant 8 : i32
      %mul3A_470 = arith.muli %sub3A_457, %mul3A_469 : i32
      %add3A_471 = arith.addi %mul3A_2, %mul3A_470 : i32
      %dma_start3A_472 = arith.constant 4 : i32
      %dma_start3A_473 = arith.constant 0 : i32
      %dma_start3A_474 = arith.constant 0 : i32
      %dma_start3A_475 = tpu.memref_slice %arg6[%dma_start3A_472, %dma_start3A_473, %dma_start3A_474] : memref<8x8x1024xf32, #tpu.memory_space<vmem>> -> memref<1x8x1024xf32, #tpu.memory_space<vmem>>
      %dma_start3A_476 = tpu.memref_squeeze %dma_start3A_475 : memref<1x8x1024xf32, #tpu.memory_space<vmem>> -> memref<8x1024xf32, #tpu.memory_space<vmem>>
      %dma_start3A_477 = arith.constant 0 : i32
      %dma_start3A_478 = tpu.memref_slice %arg4[%add3A_471, %dma_start3A_477] : memref<32768x1024xf32, #tpu.memory_space<hbm>> -> memref<8x1024xf32, #tpu.memory_space<hbm>>
      %dma_start3A_479 = arith.constant 0 : i32
      %dma_start3A_480 = tpu.memref_slice %arg4[%add3A_471, %dma_start3A_479] : memref<32768x1024xf32, #tpu.memory_space<hbm>> -> memref<8x1024xf32, #tpu.memory_space<hbm>>
      %dma_start3A_481 = arith.constant 0 : i32
      %dma_start3A_482 = arith.constant 0 : i32
      %dma_start3A_483 = tpu.memref_slice %arg6[%dma_start3A_472, %dma_start3A_481, %dma_start3A_482] : memref<8x8x1024xf32, #tpu.memory_space<vmem>> -> memref<1x8x1024xf32, #tpu.memory_space<vmem>>
      %dma_start3A_484 = tpu.memref_squeeze %dma_start3A_483 : memref<1x8x1024xf32, #tpu.memory_space<vmem>> -> memref<8x1024xf32, #tpu.memory_space<vmem>>
      tpu.enqueue_dma source(%dma_start3A_484 : memref<8x1024xf32, #tpu.memory_space<vmem>>) target(%dma_start3A_480 : memref<8x1024xf32, #tpu.memory_space<hbm>>) target_semaphore(%arg19 : memref<!tpu.dma_semaphore, #tpu.memory_space<semaphore_mem>>)
      %mul3A_485 = arith.constant 8 : i32
      %mul3A_486 = arith.muli %mul3A_485, %scan3A_423 : i32
      %add3A_487 = arith.constant 1 : i32
      %add3A_488 = arith.addi %mul3A_486, %add3A_487 : i32
      %sub3A_489 = arith.constant 8 : i32
      %sub3A_490 = arith.subi %add3A_488, %sub3A_489 : i32
      %mul3A_491 = arith.constant 8 : i32
      %mul3A_492 = arith.muli %sub3A_490, %mul3A_491 : i32
      %add3A_493 = arith.addi %mul3A_2, %mul3A_492 : i32
      %dma_wait3A_494 = arith.constant 1 : i32
      %dma_wait3A_495 = arith.constant 0 : i32
      %dma_wait3A_496 = arith.constant 0 : i32
      %dma_wait3A_497 = tpu.memref_slice %arg6[%dma_wait3A_494, %dma_wait3A_495, %dma_wait3A_496] : memref<8x8x1024xf32, #tpu.memory_space<vmem>> -> memref<1x8x1024xf32, #tpu.memory_space<vmem>>
      %dma_wait3A_498 = tpu.memref_squeeze %dma_wait3A_497 : memref<1x8x1024xf32, #tpu.memory_space<vmem>> -> memref<8x1024xf32, #tpu.memory_space<vmem>>
      %dma_wait3A_499 = arith.constant 0 : i32
      %dma_wait3A_500 = tpu.memref_slice %arg4[%add3A_493, %dma_wait3A_499] : memref<32768x1024xf32, #tpu.memory_space<hbm>> -> memref<8x1024xf32, #tpu.memory_space<hbm>>
      %dma_wait3A_501 = arith.constant 0 : i32
      %dma_wait3A_502 = tpu.memref_slice %arg4[%add3A_493, %dma_wait3A_501] : memref<32768x1024xf32, #tpu.memory_space<hbm>> -> memref<8x1024xf32, #tpu.memory_space<hbm>>
      %dma_wait3A_503 = arith.constant 0 : i32
      %dma_wait3A_504 = arith.constant 0 : i32
      %dma_wait3A_505 = tpu.memref_slice %arg6[%dma_wait3A_494, %dma_wait3A_503, %dma_wait3A_504] : memref<8x8x1024xf32, #tpu.memory_space<vmem>> -> memref<1x8x1024xf32, #tpu.memory_space<vmem>>
      %dma_wait3A_506 = tpu.memref_squeeze %dma_wait3A_505 : memref<1x8x1024xf32, #tpu.memory_space<vmem>> -> memref<8x1024xf32, #tpu.memory_space<vmem>>
      tpu.wait_dma2 semaphore(%arg16 : memref<!tpu.dma_semaphore, #tpu.memory_space<semaphore_mem>>) src(%dma_wait3A_506 : memref<8x1024xf32, #tpu.memory_space<vmem>>) dst(%dma_wait3A_502 : memref<8x1024xf32, #tpu.memory_space<hbm>>)
      %mul3A_507 = arith.constant 8 : i32
      %mul3A_508 = arith.muli %add3A_488, %mul3A_507 : i32
      %dma_start3A_509 = arith.constant 1 : i32
      %dma_start3A_510 = arith.constant 0 : i32
      %dma_start3A_511 = arith.constant 0 : i32
      %dma_start3A_512 = tpu.memref_slice %arg6[%dma_start3A_509, %dma_start3A_510, %dma_start3A_511] : memref<8x8x1024xf32, #tpu.memory_space<vmem>> -> memref<1x8x1024xf32, #tpu.memory_space<vmem>>
      %dma_start3A_513 = tpu.memref_squeeze %dma_start3A_512 : memref<1x8x1024xf32, #tpu.memory_space<vmem>> -> memref<8x1024xf32, #tpu.memory_space<vmem>>
      %dma_start3A_514 = tpu.memref_slice %arg5[%mul3A_508] : memref<1024xi32, #tpu.memory_space<vmem>> -> memref<8xi32, #tpu.memory_space<vmem>>
      %dma_start3A_515 = arith.constant 0 : i32
      %dma_start3A_516 = arith.constant 0 : i32
      %dma_start3A_517 = tpu.memref_slice %arg2[%dma_start3A_515, %dma_start3A_516] : memref<2048x1024xf32, #tpu.memory_space<hbm>> -> memref<2048x1024xf32, #tpu.memory_space<hbm>>
      tpu.enqueue_indirect_dma source(%dma_start3A_517 : memref<2048x1024xf32, #tpu.memory_space<hbm>>) target(%dma_start3A_513 : memref<8x1024xf32, #tpu.memory_space<vmem>>) offsets(%dma_start3A_514 : memref<8xi32, #tpu.memory_space<vmem>>) semaphore(%arg8 : memref<!tpu.dma_semaphore, #tpu.memory_space<semaphore_mem>>)
      %sub3A_518 = arith.constant 4 : i32
      %sub3A_519 = arith.subi %add3A_488, %sub3A_518 : i32
      %mul3A_520 = arith.constant 8 : i32
      %mul3A_521 = arith.muli %sub3A_519, %mul3A_520 : i32
      %dma_wait3A_522 = arith.constant 5 : i32
      %dma_wait3A_523 = arith.constant 0 : i32
      %dma_wait3A_524 = arith.constant 0 : i32
      %dma_wait3A_525 = tpu.memref_slice %arg6[%dma_wait3A_522, %dma_wait3A_523, %dma_wait3A_524] : memref<8x8x1024xf32, #tpu.memory_space<vmem>> -> memref<1x8x1024xf32, #tpu.memory_space<vmem>>
      %dma_wait3A_526 = tpu.memref_squeeze %dma_wait3A_525 : memref<1x8x1024xf32, #tpu.memory_space<vmem>> -> memref<8x1024xf32, #tpu.memory_space<vmem>>
      %dma_wait3A_527 = tpu.memref_slice %arg5[%mul3A_521] : memref<1024xi32, #tpu.memory_space<vmem>> -> memref<8xi32, #tpu.memory_space<vmem>>
      %dma_wait3A_528 = arith.constant 0 : i32
      %dma_wait3A_529 = arith.constant 0 : i32
      %dma_wait3A_530 = tpu.memref_slice %arg2[%dma_wait3A_528, %dma_wait3A_529] : memref<2048x1024xf32, #tpu.memory_space<hbm>> -> memref<2048x1024xf32, #tpu.memory_space<hbm>>
      tpu.wait_indirect_dma semaphore(%arg12 : memref<!tpu.dma_semaphore, #tpu.memory_space<semaphore_mem>>) src(%dma_wait3A_530 : memref<2048x1024xf32, #tpu.memory_space<hbm>>) dst(%dma_wait3A_526 : memref<8x1024xf32, #tpu.memory_space<vmem>>)
      %mul3A_531 = arith.constant 8 : i32
      %mul3A_532 = arith.muli %sub3A_519, %mul3A_531 : i32
      %add3A_533 = arith.addi %mul3A_2, %mul3A_532 : i32
      %dma_start3A_534 = arith.constant 5 : i32
      %dma_start3A_535 = arith.constant 0 : i32
      %dma_start3A_536 = arith.constant 0 : i32
      %dma_start3A_537 = tpu.memref_slice %arg6[%dma_start3A_534, %dma_start3A_535, %dma_start3A_536] : memref<8x8x1024xf32, #tpu.memory_space<vmem>> -> memref<1x8x1024xf32, #tpu.memory_space<vmem>>
      %dma_start3A_538 = tpu.memref_squeeze %dma_start3A_537 : memref<1x8x1024xf32, #tpu.memory_space<vmem>> -> memref<8x1024xf32, #tpu.memory_space<vmem>>
      %dma_start3A_539 = arith.constant 0 : i32
      %dma_start3A_540 = tpu.memref_slice %arg4[%add3A_533, %dma_start3A_539] : memref<32768x1024xf32, #tpu.memory_space<hbm>> -> memref<8x1024xf32, #tpu.memory_space<hbm>>
      %dma_start3A_541 = arith.constant 0 : i32
      %dma_start3A_542 = tpu.memref_slice %arg4[%add3A_533, %dma_start3A_541] : memref<32768x1024xf32, #tpu.memory_space<hbm>> -> memref<8x1024xf32, #tpu.memory_space<hbm>>
      %dma_start3A_543 = arith.constant 0 : i32
      %dma_start3A_544 = arith.constant 0 : i32
      %dma_start3A_545 = tpu.memref_slice %arg6[%dma_start3A_534, %dma_start3A_543, %dma_start3A_544] : memref<8x8x1024xf32, #tpu.memory_space<vmem>> -> memref<1x8x1024xf32, #tpu.memory_space<vmem>>
      %dma_start3A_546 = tpu.memref_squeeze %dma_start3A_545 : memref<1x8x1024xf32, #tpu.memory_space<vmem>> -> memref<8x1024xf32, #tpu.memory_space<vmem>>
      tpu.enqueue_dma source(%dma_start3A_546 : memref<8x1024xf32, #tpu.memory_space<vmem>>) target(%dma_start3A_542 : memref<8x1024xf32, #tpu.memory_space<hbm>>) target_semaphore(%arg20 : memref<!tpu.dma_semaphore, #tpu.memory_space<semaphore_mem>>)
      %mul3A_547 = arith.constant 8 : i32
      %mul3A_548 = arith.muli %mul3A_547, %scan3A_423 : i32
      %add3A_549 = arith.constant 2 : i32
      %add3A_550 = arith.addi %mul3A_548, %add3A_549 : i32
      %sub3A_551 = arith.constant 8 : i32
      %sub3A_552 = arith.subi %add3A_550, %sub3A_551 : i32
      %mul3A_553 = arith.constant 8 : i32
      %mul3A_554 = arith.muli %sub3A_552, %mul3A_553 : i32
      %add3A_555 = arith.addi %mul3A_2, %mul3A_554 : i32
      %dma_wait3A_556 = arith.constant 2 : i32
      %dma_wait3A_557 = arith.constant 0 : i32
      %dma_wait3A_558 = arith.constant 0 : i32
      %dma_wait3A_559 = tpu.memref_slice %arg6[%dma_wait3A_556, %dma_wait3A_557, %dma_wait3A_558] : memref<8x8x1024xf32, #tpu.memory_space<vmem>> -> memref<1x8x1024xf32, #tpu.memory_space<vmem>>
      %dma_wait3A_560 = tpu.memref_squeeze %dma_wait3A_559 : memref<1x8x1024xf32, #tpu.memory_space<vmem>> -> memref<8x1024xf32, #tpu.memory_space<vmem>>
      %dma_wait3A_561 = arith.constant 0 : i32
      %dma_wait3A_562 = tpu.memref_slice %arg4[%add3A_555, %dma_wait3A_561] : memref<32768x1024xf32, #tpu.memory_space<hbm>> -> memref<8x1024xf32, #tpu.memory_space<hbm>>
      %dma_wait3A_563 = arith.constant 0 : i32
      %dma_wait3A_564 = tpu.memref_slice %arg4[%add3A_555, %dma_wait3A_563] : memref<32768x1024xf32, #tpu.memory_space<hbm>> -> memref<8x1024xf32, #tpu.memory_space<hbm>>
      %dma_wait3A_565 = arith.constant 0 : i32
      %dma_wait3A_566 = arith.constant 0 : i32
      %dma_wait3A_567 = tpu.memref_slice %arg6[%dma_wait3A_556, %dma_wait3A_565, %dma_wait3A_566] : memref<8x8x1024xf32, #tpu.memory_space<vmem>> -> memref<1x8x1024xf32, #tpu.memory_space<vmem>>
      %dma_wait3A_568 = tpu.memref_squeeze %dma_wait3A_567 : memref<1x8x1024xf32, #tpu.memory_space<vmem>> -> memref<8x1024xf32, #tpu.memory_space<vmem>>
      tpu.wait_dma2 semaphore(%arg17 : memref<!tpu.dma_semaphore, #tpu.memory_space<semaphore_mem>>) src(%dma_wait3A_568 : memref<8x1024xf32, #tpu.memory_space<vmem>>) dst(%dma_wait3A_564 : memref<8x1024xf32, #tpu.memory_space<hbm>>)
      %mul3A_569 = arith.constant 8 : i32
      %mul3A_570 = arith.muli %add3A_550, %mul3A_569 : i32
      %dma_start3A_571 = arith.constant 2 : i32
      %dma_start3A_572 = arith.constant 0 : i32
      %dma_start3A_573 = arith.constant 0 : i32
      %dma_start3A_574 = tpu.memref_slice %arg6[%dma_start3A_571, %dma_start3A_572, %dma_start3A_573] : memref<8x8x1024xf32, #tpu.memory_space<vmem>> -> memref<1x8x1024xf32, #tpu.memory_space<vmem>>
      %dma_start3A_575 = tpu.memref_squeeze %dma_start3A_574 : memref<1x8x1024xf32, #tpu.memory_space<vmem>> -> memref<8x1024xf32, #tpu.memory_space<vmem>>
      %dma_start3A_576 = tpu.memref_slice %arg5[%mul3A_570] : memref<1024xi32, #tpu.memory_space<vmem>> -> memref<8xi32, #tpu.memory_space<vmem>>
      %dma_start3A_577 = arith.constant 0 : i32
      %dma_start3A_578 = arith.constant 0 : i32
      %dma_start3A_579 = tpu.memref_slice %arg2[%dma_start3A_577, %dma_start3A_578] : memref<2048x1024xf32, #tpu.memory_space<hbm>> -> memref<2048x1024xf32, #tpu.memory_space<hbm>>
      tpu.enqueue_indirect_dma source(%dma_start3A_579 : memref<2048x1024xf32, #tpu.memory_space<hbm>>) target(%dma_start3A_575 : memref<8x1024xf32, #tpu.memory_space<vmem>>) offsets(%dma_start3A_576 : memref<8xi32, #tpu.memory_space<vmem>>) semaphore(%arg9 : memref<!tpu.dma_semaphore, #tpu.memory_space<semaphore_mem>>)
      %sub3A_580 = arith.constant 4 : i32
      %sub3A_581 = arith.subi %add3A_550, %sub3A_580 : i32
      %mul3A_582 = arith.constant 8 : i32
      %mul3A_583 = arith.muli %sub3A_581, %mul3A_582 : i32
      %dma_wait3A_584 = arith.constant 6 : i32
      %dma_wait3A_585 = arith.constant 0 : i32
      %dma_wait3A_586 = arith.constant 0 : i32
      %dma_wait3A_587 = tpu.memref_slice %arg6[%dma_wait3A_584, %dma_wait3A_585, %dma_wait3A_586] : memref<8x8x1024xf32, #tpu.memory_space<vmem>> -> memref<1x8x1024xf32, #tpu.memory_space<vmem>>
      %dma_wait3A_588 = tpu.memref_squeeze %dma_wait3A_587 : memref<1x8x1024xf32, #tpu.memory_space<vmem>> -> memref<8x1024xf32, #tpu.memory_space<vmem>>
      %dma_wait3A_589 = tpu.memref_slice %arg5[%mul3A_583] : memref<1024xi32, #tpu.memory_space<vmem>> -> memref<8xi32, #tpu.memory_space<vmem>>
      %dma_wait3A_590 = arith.constant 0 : i32
      %dma_wait3A_591 = arith.constant 0 : i32
      %dma_wait3A_592 = tpu.memref_slice %arg2[%dma_wait3A_590, %dma_wait3A_591] : memref<2048x1024xf32, #tpu.memory_space<hbm>> -> memref<2048x1024xf32, #tpu.memory_space<hbm>>
      tpu.wait_indirect_dma semaphore(%arg13 : memref<!tpu.dma_semaphore, #tpu.memory_space<semaphore_mem>>) src(%dma_wait3A_592 : memref<2048x1024xf32, #tpu.memory_space<hbm>>) dst(%dma_wait3A_588 : memref<8x1024xf32, #tpu.memory_space<vmem>>)
      %mul3A_593 = arith.constant 8 : i32
      %mul3A_594 = arith.muli %sub3A_581, %mul3A_593 : i32
      %add3A_595 = arith.addi %mul3A_2, %mul3A_594 : i32
      %dma_start3A_596 = arith.constant 6 : i32
      %dma_start3A_597 = arith.constant 0 : i32
      %dma_start3A_598 = arith.constant 0 : i32
      %dma_start3A_599 = tpu.memref_slice %arg6[%dma_start3A_596, %dma_start3A_597, %dma_start3A_598] : memref<8x8x1024xf32, #tpu.memory_space<vmem>> -> memref<1x8x1024xf32, #tpu.memory_space<vmem>>
      %dma_start3A_600 = tpu.memref_squeeze %dma_start3A_599 : memref<1x8x1024xf32, #tpu.memory_space<vmem>> -> memref<8x1024xf32, #tpu.memory_space<vmem>>
      %dma_start3A_601 = arith.constant 0 : i32
      %dma_start3A_602 = tpu.memref_slice %arg4[%add3A_595, %dma_start3A_601] : memref<32768x1024xf32, #tpu.memory_space<hbm>> -> memref<8x1024xf32, #tpu.memory_space<hbm>>
      %dma_start3A_603 = arith.constant 0 : i32
      %dma_start3A_604 = tpu.memref_slice %arg4[%add3A_595, %dma_start3A_603] : memref<32768x1024xf32, #tpu.memory_space<hbm>> -> memref<8x1024xf32, #tpu.memory_space<hbm>>
      %dma_start3A_605 = arith.constant 0 : i32
      %dma_start3A_606 = arith.constant 0 : i32
      %dma_start3A_607 = tpu.memref_slice %arg6[%dma_start3A_596, %dma_start3A_605, %dma_start3A_606] : memref<8x8x1024xf32, #tpu.memory_space<vmem>> -> memref<1x8x1024xf32, #tpu.memory_space<vmem>>
      %dma_start3A_608 = tpu.memref_squeeze %dma_start3A_607 : memref<1x8x1024xf32, #tpu.memory_space<vmem>> -> memref<8x1024xf32, #tpu.memory_space<vmem>>
      tpu.enqueue_dma source(%dma_start3A_608 : memref<8x1024xf32, #tpu.memory_space<vmem>>) target(%dma_start3A_604 : memref<8x1024xf32, #tpu.memory_space<hbm>>) target_semaphore(%arg21 : memref<!tpu.dma_semaphore, #tpu.memory_space<semaphore_mem>>)
      %mul3A_609 = arith.constant 8 : i32
      %mul3A_610 = arith.muli %mul3A_609, %scan3A_423 : i32
      %add3A_611 = arith.constant 3 : i32
      %add3A_612 = arith.addi %mul3A_610, %add3A_611 : i32
      %sub3A_613 = arith.constant 8 : i32
      %sub3A_614 = arith.subi %add3A_612, %sub3A_613 : i32
      %mul3A_615 = arith.constant 8 : i32
      %mul3A_616 = arith.muli %sub3A_614, %mul3A_615 : i32
      %add3A_617 = arith.addi %mul3A_2, %mul3A_616 : i32
      %dma_wait3A_618 = arith.constant 3 : i32
      %dma_wait3A_619 = arith.constant 0 : i32
      %dma_wait3A_620 = arith.constant 0 : i32
      %dma_wait3A_621 = tpu.memref_slice %arg6[%dma_wait3A_618, %dma_wait3A_619, %dma_wait3A_620] : memref<8x8x1024xf32, #tpu.memory_space<vmem>> -> memref<1x8x1024xf32, #tpu.memory_space<vmem>>
      %dma_wait3A_622 = tpu.memref_squeeze %dma_wait3A_621 : memref<1x8x1024xf32, #tpu.memory_space<vmem>> -> memref<8x1024xf32, #tpu.memory_space<vmem>>
      %dma_wait3A_623 = arith.constant 0 : i32
      %dma_wait3A_624 = tpu.memref_slice %arg4[%add3A_617, %dma_wait3A_623] : memref<32768x1024xf32, #tpu.memory_space<hbm>> -> memref<8x1024xf32, #tpu.memory_space<hbm>>
      %dma_wait3A_625 = arith.constant 0 : i32
      %dma_wait3A_626 = tpu.memref_slice %arg4[%add3A_617, %dma_wait3A_625] : memref<32768x1024xf32, #tpu.memory_space<hbm>> -> memref<8x1024xf32, #tpu.memory_space<hbm>>
      %dma_wait3A_627 = arith.constant 0 : i32
      %dma_wait3A_628 = arith.constant 0 : i32
      %dma_wait3A_629 = tpu.memref_slice %arg6[%dma_wait3A_618, %dma_wait3A_627, %dma_wait3A_628] : memref<8x8x1024xf32, #tpu.memory_space<vmem>> -> memref<1x8x1024xf32, #tpu.memory_space<vmem>>
      %dma_wait3A_630 = tpu.memref_squeeze %dma_wait3A_629 : memref<1x8x1024xf32, #tpu.memory_space<vmem>> -> memref<8x1024xf32, #tpu.memory_space<vmem>>
      tpu.wait_dma2 semaphore(%arg18 : memref<!tpu.dma_semaphore, #tpu.memory_space<semaphore_mem>>) src(%dma_wait3A_630 : memref<8x1024xf32, #tpu.memory_space<vmem>>) dst(%dma_wait3A_626 : memref<8x1024xf32, #tpu.memory_space<hbm>>)
      %mul3A_631 = arith.constant 8 : i32
      %mul3A_632 = arith.muli %add3A_612, %mul3A_631 : i32
      %dma_start3A_633 = arith.constant 3 : i32
      %dma_start3A_634 = arith.constant 0 : i32
      %dma_start3A_635 = arith.constant 0 : i32
      %dma_start3A_636 = tpu.memref_slice %arg6[%dma_start3A_633, %dma_start3A_634, %dma_start3A_635] : memref<8x8x1024xf32, #tpu.memory_space<vmem>> -> memref<1x8x1024xf32, #tpu.memory_space<vmem>>
      %dma_start3A_637 = tpu.memref_squeeze %dma_start3A_636 : memref<1x8x1024xf32, #tpu.memory_space<vmem>> -> memref<8x1024xf32, #tpu.memory_space<vmem>>
      %dma_start3A_638 = tpu.memref_slice %arg5[%mul3A_632] : memref<1024xi32, #tpu.memory_space<vmem>> -> memref<8xi32, #tpu.memory_space<vmem>>
      %dma_start3A_639 = arith.constant 0 : i32
      %dma_start3A_640 = arith.constant 0 : i32
      %dma_start3A_641 = tpu.memref_slice %arg2[%dma_start3A_639, %dma_start3A_640] : memref<2048x1024xf32, #tpu.memory_space<hbm>> -> memref<2048x1024xf32, #tpu.memory_space<hbm>>
      tpu.enqueue_indirect_dma source(%dma_start3A_641 : memref<2048x1024xf32, #tpu.memory_space<hbm>>) target(%dma_start3A_637 : memref<8x1024xf32, #tpu.memory_space<vmem>>) offsets(%dma_start3A_638 : memref<8xi32, #tpu.memory_space<vmem>>) semaphore(%arg10 : memref<!tpu.dma_semaphore, #tpu.memory_space<semaphore_mem>>)
      %sub3A_642 = arith.constant 4 : i32
      %sub3A_643 = arith.subi %add3A_612, %sub3A_642 : i32
      %mul3A_644 = arith.constant 8 : i32
      %mul3A_645 = arith.muli %sub3A_643, %mul3A_644 : i32
      %dma_wait3A_646 = arith.constant 7 : i32
      %dma_wait3A_647 = arith.constant 0 : i32
      %dma_wait3A_648 = arith.constant 0 : i32
      %dma_wait3A_649 = tpu.memref_slice %arg6[%dma_wait3A_646, %dma_wait3A_647, %dma_wait3A_648] : memref<8x8x1024xf32, #tpu.memory_space<vmem>> -> memref<1x8x1024xf32, #tpu.memory_space<vmem>>
      %dma_wait3A_650 = tpu.memref_squeeze %dma_wait3A_649 : memref<1x8x1024xf32, #tpu.memory_space<vmem>> -> memref<8x1024xf32, #tpu.memory_space<vmem>>
      %dma_wait3A_651 = tpu.memref_slice %arg5[%mul3A_645] : memref<1024xi32, #tpu.memory_space<vmem>> -> memref<8xi32, #tpu.memory_space<vmem>>
      %dma_wait3A_652 = arith.constant 0 : i32
      %dma_wait3A_653 = arith.constant 0 : i32
      %dma_wait3A_654 = tpu.memref_slice %arg2[%dma_wait3A_652, %dma_wait3A_653] : memref<2048x1024xf32, #tpu.memory_space<hbm>> -> memref<2048x1024xf32, #tpu.memory_space<hbm>>
      tpu.wait_indirect_dma semaphore(%arg14 : memref<!tpu.dma_semaphore, #tpu.memory_space<semaphore_mem>>) src(%dma_wait3A_654 : memref<2048x1024xf32, #tpu.memory_space<hbm>>) dst(%dma_wait3A_650 : memref<8x1024xf32, #tpu.memory_space<vmem>>)
      %mul3A_655 = arith.constant 8 : i32
      %mul3A_656 = arith.muli %sub3A_643, %mul3A_655 : i32
      %add3A_657 = arith.addi %mul3A_2, %mul3A_656 : i32
      %dma_start3A_658 = arith.constant 7 : i32
      %dma_start3A_659 = arith.constant 0 : i32
      %dma_start3A_660 = arith.constant 0 : i32
      %dma_start3A_661 = tpu.memref_slice %arg6[%dma_start3A_658, %dma_start3A_659, %dma_start3A_660] : memref<8x8x1024xf32, #tpu.memory_space<vmem>> -> memref<1x8x1024xf32, #tpu.memory_space<vmem>>
      %dma_start3A_662 = tpu.memref_squeeze %dma_start3A_661 : memref<1x8x1024xf32, #tpu.memory_space<vmem>> -> memref<8x1024xf32, #tpu.memory_space<vmem>>
      %dma_start3A_663 = arith.constant 0 : i32
      %dma_start3A_664 = tpu.memref_slice %arg4[%add3A_657, %dma_start3A_663] : memref<32768x1024xf32, #tpu.memory_space<hbm>> -> memref<8x1024xf32, #tpu.memory_space<hbm>>
      %dma_start3A_665 = arith.constant 0 : i32
      %dma_start3A_666 = tpu.memref_slice %arg4[%add3A_657, %dma_start3A_665] : memref<32768x1024xf32, #tpu.memory_space<hbm>> -> memref<8x1024xf32, #tpu.memory_space<hbm>>
      %dma_start3A_667 = arith.constant 0 : i32
      %dma_start3A_668 = arith.constant 0 : i32
      %dma_start3A_669 = tpu.memref_slice %arg6[%dma_start3A_658, %dma_start3A_667, %dma_start3A_668] : memref<8x8x1024xf32, #tpu.memory_space<vmem>> -> memref<1x8x1024xf32, #tpu.memory_space<vmem>>
      %dma_start3A_670 = tpu.memref_squeeze %dma_start3A_669 : memref<1x8x1024xf32, #tpu.memory_space<vmem>> -> memref<8x1024xf32, #tpu.memory_space<vmem>>
      tpu.enqueue_dma source(%dma_start3A_670 : memref<8x1024xf32, #tpu.memory_space<vmem>>) target(%dma_start3A_666 : memref<8x1024xf32, #tpu.memory_space<hbm>>) target_semaphore(%arg22 : memref<!tpu.dma_semaphore, #tpu.memory_space<semaphore_mem>>)
      %mul3A_671 = arith.constant 8 : i32
      %mul3A_672 = arith.muli %mul3A_671, %scan3A_423 : i32
      %add3A_673 = arith.constant 4 : i32
      %add3A_674 = arith.addi %mul3A_672, %add3A_673 : i32
      %sub3A_675 = arith.constant 8 : i32
      %sub3A_676 = arith.subi %add3A_674, %sub3A_675 : i32
      %mul3A_677 = arith.constant 8 : i32
      %mul3A_678 = arith.muli %sub3A_676, %mul3A_677 : i32
      %add3A_679 = arith.addi %mul3A_2, %mul3A_678 : i32
      %dma_wait3A_680 = arith.constant 4 : i32
      %dma_wait3A_681 = arith.constant 0 : i32
      %dma_wait3A_682 = arith.constant 0 : i32
      %dma_wait3A_683 = tpu.memref_slice %arg6[%dma_wait3A_680, %dma_wait3A_681, %dma_wait3A_682] : memref<8x8x1024xf32, #tpu.memory_space<vmem>> -> memref<1x8x1024xf32, #tpu.memory_space<vmem>>
      %dma_wait3A_684 = tpu.memref_squeeze %dma_wait3A_683 : memref<1x8x1024xf32, #tpu.memory_space<vmem>> -> memref<8x1024xf32, #tpu.memory_space<vmem>>
      %dma_wait3A_685 = arith.constant 0 : i32
      %dma_wait3A_686 = tpu.memref_slice %arg4[%add3A_679, %dma_wait3A_685] : memref<32768x1024xf32, #tpu.memory_space<hbm>> -> memref<8x1024xf32, #tpu.memory_space<hbm>>
      %dma_wait3A_687 = arith.constant 0 : i32
      %dma_wait3A_688 = tpu.memref_slice %arg4[%add3A_679, %dma_wait3A_687] : memref<32768x1024xf32, #tpu.memory_space<hbm>> -> memref<8x1024xf32, #tpu.memory_space<hbm>>
      %dma_wait3A_689 = arith.constant 0 : i32
      %dma_wait3A_690 = arith.constant 0 : i32
      %dma_wait3A_691 = tpu.memref_slice %arg6[%dma_wait3A_680, %dma_wait3A_689, %dma_wait3A_690] : memref<8x8x1024xf32, #tpu.memory_space<vmem>> -> memref<1x8x1024xf32, #tpu.memory_space<vmem>>
      %dma_wait3A_692 = tpu.memref_squeeze %dma_wait3A_691 : memref<1x8x1024xf32, #tpu.memory_space<vmem>> -> memref<8x1024xf32, #tpu.memory_space<vmem>>
      tpu.wait_dma2 semaphore(%arg19 : memref<!tpu.dma_semaphore, #tpu.memory_space<semaphore_mem>>) src(%dma_wait3A_692 : memref<8x1024xf32, #tpu.memory_space<vmem>>) dst(%dma_wait3A_688 : memref<8x1024xf32, #tpu.memory_space<hbm>>)
      %mul3A_693 = arith.constant 8 : i32
      %mul3A_694 = arith.muli %add3A_674, %mul3A_693 : i32
      %dma_start3A_695 = arith.constant 4 : i32
      %dma_start3A_696 = arith.constant 0 : i32
      %dma_start3A_697 = arith.constant 0 : i32
      %dma_start3A_698 = tpu.memref_slice %arg6[%dma_start3A_695, %dma_start3A_696, %dma_start3A_697] : memref<8x8x1024xf32, #tpu.memory_space<vmem>> -> memref<1x8x1024xf32, #tpu.memory_space<vmem>>
      %dma_start3A_699 = tpu.memref_squeeze %dma_start3A_698 : memref<1x8x1024xf32, #tpu.memory_space<vmem>> -> memref<8x1024xf32, #tpu.memory_space<vmem>>
      %dma_start3A_700 = tpu.memref_slice %arg5[%mul3A_694] : memref<1024xi32, #tpu.memory_space<vmem>> -> memref<8xi32, #tpu.memory_space<vmem>>
      %dma_start3A_701 = arith.constant 0 : i32
      %dma_start3A_702 = arith.constant 0 : i32
      %dma_start3A_703 = tpu.memref_slice %arg2[%dma_start3A_701, %dma_start3A_702] : memref<2048x1024xf32, #tpu.memory_space<hbm>> -> memref<2048x1024xf32, #tpu.memory_space<hbm>>
      tpu.enqueue_indirect_dma source(%dma_start3A_703 : memref<2048x1024xf32, #tpu.memory_space<hbm>>) target(%dma_start3A_699 : memref<8x1024xf32, #tpu.memory_space<vmem>>) offsets(%dma_start3A_700 : memref<8xi32, #tpu.memory_space<vmem>>) semaphore(%arg11 : memref<!tpu.dma_semaphore, #tpu.memory_space<semaphore_mem>>)
      %sub3A_704 = arith.constant 4 : i32
      %sub3A_705 = arith.subi %add3A_674, %sub3A_704 : i32
      %mul3A_706 = arith.constant 8 : i32
      %mul3A_707 = arith.muli %sub3A_705, %mul3A_706 : i32
      %dma_wait3A_708 = arith.constant 0 : i32
      %dma_wait3A_709 = arith.constant 0 : i32
      %dma_wait3A_710 = arith.constant 0 : i32
      %dma_wait3A_711 = tpu.memref_slice %arg6[%dma_wait3A_708, %dma_wait3A_709, %dma_wait3A_710] : memref<8x8x1024xf32, #tpu.memory_space<vmem>> -> memref<1x8x1024xf32, #tpu.memory_space<vmem>>
      %dma_wait3A_712 = tpu.memref_squeeze %dma_wait3A_711 : memref<1x8x1024xf32, #tpu.memory_space<vmem>> -> memref<8x1024xf32, #tpu.memory_space<vmem>>
      %dma_wait3A_713 = tpu.memref_slice %arg5[%mul3A_707] : memref<1024xi32, #tpu.memory_space<vmem>> -> memref<8xi32, #tpu.memory_space<vmem>>
      %dma_wait3A_714 = arith.constant 0 : i32
      %dma_wait3A_715 = arith.constant 0 : i32
      %dma_wait3A_716 = tpu.memref_slice %arg2[%dma_wait3A_714, %dma_wait3A_715] : memref<2048x1024xf32, #tpu.memory_space<hbm>> -> memref<2048x1024xf32, #tpu.memory_space<hbm>>
      tpu.wait_indirect_dma semaphore(%arg7 : memref<!tpu.dma_semaphore, #tpu.memory_space<semaphore_mem>>) src(%dma_wait3A_716 : memref<2048x1024xf32, #tpu.memory_space<hbm>>) dst(%dma_wait3A_712 : memref<8x1024xf32, #tpu.memory_space<vmem>>)
      %mul3A_717 = arith.constant 8 : i32
      %mul3A_718 = arith.muli %sub3A_705, %mul3A_717 : i32
      %add3A_719 = arith.addi %mul3A_2, %mul3A_718 : i32
      %dma_start3A_720 = arith.constant 0 : i32
      %dma_start3A_721 = arith.constant 0 : i32
      %dma_start3A_722 = arith.constant 0 : i32
      %dma_start3A_723 = tpu.memref_slice %arg6[%dma_start3A_720, %dma_start3A_721, %dma_start3A_722] : memref<8x8x1024xf32, #tpu.memory_space<vmem>> -> memref<1x8x1024xf32, #tpu.memory_space<vmem>>
      %dma_start3A_724 = tpu.memref_squeeze %dma_start3A_723 : memref<1x8x1024xf32, #tpu.memory_space<vmem>> -> memref<8x1024xf32, #tpu.memory_space<vmem>>
      %dma_start3A_725 = arith.constant 0 : i32
      %dma_start3A_726 = tpu.memref_slice %arg4[%add3A_719, %dma_start3A_725] : memref<32768x1024xf32, #tpu.memory_space<hbm>> -> memref<8x1024xf32, #tpu.memory_space<hbm>>
      %dma_start3A_727 = arith.constant 0 : i32
      %dma_start3A_728 = tpu.memref_slice %arg4[%add3A_719, %dma_start3A_727] : memref<32768x1024xf32, #tpu.memory_space<hbm>> -> memref<8x1024xf32, #tpu.memory_space<hbm>>
      %dma_start3A_729 = arith.constant 0 : i32
      %dma_start3A_730 = arith.constant 0 : i32
      %dma_start3A_731 = tpu.memref_slice %arg6[%dma_start3A_720, %dma_start3A_729, %dma_start3A_730] : memref<8x8x1024xf32, #tpu.memory_space<vmem>> -> memref<1x8x1024xf32, #tpu.memory_space<vmem>>
      %dma_start3A_732 = tpu.memref_squeeze %dma_start3A_731 : memref<1x8x1024xf32, #tpu.memory_space<vmem>> -> memref<8x1024xf32, #tpu.memory_space<vmem>>
      tpu.enqueue_dma source(%dma_start3A_732 : memref<8x1024xf32, #tpu.memory_space<vmem>>) target(%dma_start3A_728 : memref<8x1024xf32, #tpu.memory_space<hbm>>) target_semaphore(%arg15 : memref<!tpu.dma_semaphore, #tpu.memory_space<semaphore_mem>>)
      %mul3A_733 = arith.constant 8 : i32
      %mul3A_734 = arith.muli %mul3A_733, %scan3A_423 : i32
      %add3A_735 = arith.constant 5 : i32
      %add3A_736 = arith.addi %mul3A_734, %add3A_735 : i32
      %sub3A_737 = arith.constant 8 : i32
      %sub3A_738 = arith.subi %add3A_736, %sub3A_737 : i32
      %mul3A_739 = arith.constant 8 : i32
      %mul3A_740 = arith.muli %sub3A_738, %mul3A_739 : i32
      %add3A_741 = arith.addi %mul3A_2, %mul3A_740 : i32
      %dma_wait3A_742 = arith.constant 5 : i32
      %dma_wait3A_743 = arith.constant 0 : i32
      %dma_wait3A_744 = arith.constant 0 : i32
      %dma_wait3A_745 = tpu.memref_slice %arg6[%dma_wait3A_742, %dma_wait3A_743, %dma_wait3A_744] : memref<8x8x1024xf32, #tpu.memory_space<vmem>> -> memref<1x8x1024xf32, #tpu.memory_space<vmem>>
      %dma_wait3A_746 = tpu.memref_squeeze %dma_wait3A_745 : memref<1x8x1024xf32, #tpu.memory_space<vmem>> -> memref<8x1024xf32, #tpu.memory_space<vmem>>
      %dma_wait3A_747 = arith.constant 0 : i32
      %dma_wait3A_748 = tpu.memref_slice %arg4[%add3A_741, %dma_wait3A_747] : memref<32768x1024xf32, #tpu.memory_space<hbm>> -> memref<8x1024xf32, #tpu.memory_space<hbm>>
      %dma_wait3A_749 = arith.constant 0 : i32
      %dma_wait3A_750 = tpu.memref_slice %arg4[%add3A_741, %dma_wait3A_749] : memref<32768x1024xf32, #tpu.memory_space<hbm>> -> memref<8x1024xf32, #tpu.memory_space<hbm>>
      %dma_wait3A_751 = arith.constant 0 : i32
      %dma_wait3A_752 = arith.constant 0 : i32
      %dma_wait3A_753 = tpu.memref_slice %arg6[%dma_wait3A_742, %dma_wait3A_751, %dma_wait3A_752] : memref<8x8x1024xf32, #tpu.memory_space<vmem>> -> memref<1x8x1024xf32, #tpu.memory_space<vmem>>
      %dma_wait3A_754 = tpu.memref_squeeze %dma_wait3A_753 : memref<1x8x1024xf32, #tpu.memory_space<vmem>> -> memref<8x1024xf32, #tpu.memory_space<vmem>>
      tpu.wait_dma2 semaphore(%arg20 : memref<!tpu.dma_semaphore, #tpu.memory_space<semaphore_mem>>) src(%dma_wait3A_754 : memref<8x1024xf32, #tpu.memory_space<vmem>>) dst(%dma_wait3A_750 : memref<8x1024xf32, #tpu.memory_space<hbm>>)
      %mul3A_755 = arith.constant 8 : i32
      %mul3A_756 = arith.muli %add3A_736, %mul3A_755 : i32
      %dma_start3A_757 = arith.constant 5 : i32
      %dma_start3A_758 = arith.constant 0 : i32
      %dma_start3A_759 = arith.constant 0 : i32
      %dma_start3A_760 = tpu.memref_slice %arg6[%dma_start3A_757, %dma_start3A_758, %dma_start3A_759] : memref<8x8x1024xf32, #tpu.memory_space<vmem>> -> memref<1x8x1024xf32, #tpu.memory_space<vmem>>
      %dma_start3A_761 = tpu.memref_squeeze %dma_start3A_760 : memref<1x8x1024xf32, #tpu.memory_space<vmem>> -> memref<8x1024xf32, #tpu.memory_space<vmem>>
      %dma_start3A_762 = tpu.memref_slice %arg5[%mul3A_756] : memref<1024xi32, #tpu.memory_space<vmem>> -> memref<8xi32, #tpu.memory_space<vmem>>
      %dma_start3A_763 = arith.constant 0 : i32
      %dma_start3A_764 = arith.constant 0 : i32
      %dma_start3A_765 = tpu.memref_slice %arg2[%dma_start3A_763, %dma_start3A_764] : memref<2048x1024xf32, #tpu.memory_space<hbm>> -> memref<2048x1024xf32, #tpu.memory_space<hbm>>
      tpu.enqueue_indirect_dma source(%dma_start3A_765 : memref<2048x1024xf32, #tpu.memory_space<hbm>>) target(%dma_start3A_761 : memref<8x1024xf32, #tpu.memory_space<vmem>>) offsets(%dma_start3A_762 : memref<8xi32, #tpu.memory_space<vmem>>) semaphore(%arg12 : memref<!tpu.dma_semaphore, #tpu.memory_space<semaphore_mem>>)
      %sub3A_766 = arith.constant 4 : i32
      %sub3A_767 = arith.subi %add3A_736, %sub3A_766 : i32
      %mul3A_768 = arith.constant 8 : i32
      %mul3A_769 = arith.muli %sub3A_767, %mul3A_768 : i32
      %dma_wait3A_770 = arith.constant 1 : i32
      %dma_wait3A_771 = arith.constant 0 : i32
      %dma_wait3A_772 = arith.constant 0 : i32
      %dma_wait3A_773 = tpu.memref_slice %arg6[%dma_wait3A_770, %dma_wait3A_771, %dma_wait3A_772] : memref<8x8x1024xf32, #tpu.memory_space<vmem>> -> memref<1x8x1024xf32, #tpu.memory_space<vmem>>
      %dma_wait3A_774 = tpu.memref_squeeze %dma_wait3A_773 : memref<1x8x1024xf32, #tpu.memory_space<vmem>> -> memref<8x1024xf32, #tpu.memory_space<vmem>>
      %dma_wait3A_775 = tpu.memref_slice %arg5[%mul3A_769] : memref<1024xi32, #tpu.memory_space<vmem>> -> memref<8xi32, #tpu.memory_space<vmem>>
      %dma_wait3A_776 = arith.constant 0 : i32
      %dma_wait3A_777 = arith.constant 0 : i32
      %dma_wait3A_778 = tpu.memref_slice %arg2[%dma_wait3A_776, %dma_wait3A_777] : memref<2048x1024xf32, #tpu.memory_space<hbm>> -> memref<2048x1024xf32, #tpu.memory_space<hbm>>
      tpu.wait_indirect_dma semaphore(%arg8 : memref<!tpu.dma_semaphore, #tpu.memory_space<semaphore_mem>>) src(%dma_wait3A_778 : memref<2048x1024xf32, #tpu.memory_space<hbm>>) dst(%dma_wait3A_774 : memref<8x1024xf32, #tpu.memory_space<vmem>>)
      %mul3A_779 = arith.constant 8 : i32
      %mul3A_780 = arith.muli %sub3A_767, %mul3A_779 : i32
      %add3A_781 = arith.addi %mul3A_2, %mul3A_780 : i32
      %dma_start3A_782 = arith.constant 1 : i32
      %dma_start3A_783 = arith.constant 0 : i32
      %dma_start3A_784 = arith.constant 0 : i32
      %dma_start3A_785 = tpu.memref_slice %arg6[%dma_start3A_782, %dma_start3A_783, %dma_start3A_784] : memref<8x8x1024xf32, #tpu.memory_space<vmem>> -> memref<1x8x1024xf32, #tpu.memory_space<vmem>>
      %dma_start3A_786 = tpu.memref_squeeze %dma_start3A_785 : memref<1x8x1024xf32, #tpu.memory_space<vmem>> -> memref<8x1024xf32, #tpu.memory_space<vmem>>
      %dma_start3A_787 = arith.constant 0 : i32
      %dma_start3A_788 = tpu.memref_slice %arg4[%add3A_781, %dma_start3A_787] : memref<32768x1024xf32, #tpu.memory_space<hbm>> -> memref<8x1024xf32, #tpu.memory_space<hbm>>
      %dma_start3A_789 = arith.constant 0 : i32
      %dma_start3A_790 = tpu.memref_slice %arg4[%add3A_781, %dma_start3A_789] : memref<32768x1024xf32, #tpu.memory_space<hbm>> -> memref<8x1024xf32, #tpu.memory_space<hbm>>
      %dma_start3A_791 = arith.constant 0 : i32
      %dma_start3A_792 = arith.constant 0 : i32
      %dma_start3A_793 = tpu.memref_slice %arg6[%dma_start3A_782, %dma_start3A_791, %dma_start3A_792] : memref<8x8x1024xf32, #tpu.memory_space<vmem>> -> memref<1x8x1024xf32, #tpu.memory_space<vmem>>
      %dma_start3A_794 = tpu.memref_squeeze %dma_start3A_793 : memref<1x8x1024xf32, #tpu.memory_space<vmem>> -> memref<8x1024xf32, #tpu.memory_space<vmem>>
      tpu.enqueue_dma source(%dma_start3A_794 : memref<8x1024xf32, #tpu.memory_space<vmem>>) target(%dma_start3A_790 : memref<8x1024xf32, #tpu.memory_space<hbm>>) target_semaphore(%arg16 : memref<!tpu.dma_semaphore, #tpu.memory_space<semaphore_mem>>)
      %mul3A_795 = arith.constant 8 : i32
      %mul3A_796 = arith.muli %mul3A_795, %scan3A_423 : i32
      %add3A_797 = arith.constant 6 : i32
      %add3A_798 = arith.addi %mul3A_796, %add3A_797 : i32
      %sub3A_799 = arith.constant 8 : i32
      %sub3A_800 = arith.subi %add3A_798, %sub3A_799 : i32
      %mul3A_801 = arith.constant 8 : i32
      %mul3A_802 = arith.muli %sub3A_800, %mul3A_801 : i32
      %add3A_803 = arith.addi %mul3A_2, %mul3A_802 : i32
      %dma_wait3A_804 = arith.constant 6 : i32
      %dma_wait3A_805 = arith.constant 0 : i32
      %dma_wait3A_806 = arith.constant 0 : i32
      %dma_wait3A_807 = tpu.memref_slice %arg6[%dma_wait3A_804, %dma_wait3A_805, %dma_wait3A_806] : memref<8x8x1024xf32, #tpu.memory_space<vmem>> -> memref<1x8x1024xf32, #tpu.memory_space<vmem>>
      %dma_wait3A_808 = tpu.memref_squeeze %dma_wait3A_807 : memref<1x8x1024xf32, #tpu.memory_space<vmem>> -> memref<8x1024xf32, #tpu.memory_space<vmem>>
      %dma_wait3A_809 = arith.constant 0 : i32
      %dma_wait3A_810 = tpu.memref_slice %arg4[%add3A_803, %dma_wait3A_809] : memref<32768x1024xf32, #tpu.memory_space<hbm>> -> memref<8x1024xf32, #tpu.memory_space<hbm>>
      %dma_wait3A_811 = arith.constant 0 : i32
      %dma_wait3A_812 = tpu.memref_slice %arg4[%add3A_803, %dma_wait3A_811] : memref<32768x1024xf32, #tpu.memory_space<hbm>> -> memref<8x1024xf32, #tpu.memory_space<hbm>>
      %dma_wait3A_813 = arith.constant 0 : i32
      %dma_wait3A_814 = arith.constant 0 : i32
      %dma_wait3A_815 = tpu.memref_slice %arg6[%dma_wait3A_804, %dma_wait3A_813, %dma_wait3A_814] : memref<8x8x1024xf32, #tpu.memory_space<vmem>> -> memref<1x8x1024xf32, #tpu.memory_space<vmem>>
      %dma_wait3A_816 = tpu.memref_squeeze %dma_wait3A_815 : memref<1x8x1024xf32, #tpu.memory_space<vmem>> -> memref<8x1024xf32, #tpu.memory_space<vmem>>
      tpu.wait_dma2 semaphore(%arg21 : memref<!tpu.dma_semaphore, #tpu.memory_space<semaphore_mem>>) src(%dma_wait3A_816 : memref<8x1024xf32, #tpu.memory_space<vmem>>) dst(%dma_wait3A_812 : memref<8x1024xf32, #tpu.memory_space<hbm>>)
      %mul3A_817 = arith.constant 8 : i32
      %mul3A_818 = arith.muli %add3A_798, %mul3A_817 : i32
      %dma_start3A_819 = arith.constant 6 : i32
      %dma_start3A_820 = arith.constant 0 : i32
      %dma_start3A_821 = arith.constant 0 : i32
      %dma_start3A_822 = tpu.memref_slice %arg6[%dma_start3A_819, %dma_start3A_820, %dma_start3A_821] : memref<8x8x1024xf32, #tpu.memory_space<vmem>> -> memref<1x8x1024xf32, #tpu.memory_space<vmem>>
      %dma_start3A_823 = tpu.memref_squeeze %dma_start3A_822 : memref<1x8x1024xf32, #tpu.memory_space<vmem>> -> memref<8x1024xf32, #tpu.memory_space<vmem>>
      %dma_start3A_824 = tpu.memref_slice %arg5[%mul3A_818] : memref<1024xi32, #tpu.memory_space<vmem>> -> memref<8xi32, #tpu.memory_space<vmem>>
      %dma_start3A_825 = arith.constant 0 : i32
      %dma_start3A_826 = arith.constant 0 : i32
      %dma_start3A_827 = tpu.memref_slice %arg2[%dma_start3A_825, %dma_start3A_826] : memref<2048x1024xf32, #tpu.memory_space<hbm>> -> memref<2048x1024xf32, #tpu.memory_space<hbm>>
      tpu.enqueue_indirect_dma source(%dma_start3A_827 : memref<2048x1024xf32, #tpu.memory_space<hbm>>) target(%dma_start3A_823 : memref<8x1024xf32, #tpu.memory_space<vmem>>) offsets(%dma_start3A_824 : memref<8xi32, #tpu.memory_space<vmem>>) semaphore(%arg13 : memref<!tpu.dma_semaphore, #tpu.memory_space<semaphore_mem>>)
      %sub3A_828 = arith.constant 4 : i32
      %sub3A_829 = arith.subi %add3A_798, %sub3A_828 : i32
      %mul3A_830 = arith.constant 8 : i32
      %mul3A_831 = arith.muli %sub3A_829, %mul3A_830 : i32
      %dma_wait3A_832 = arith.constant 2 : i32
      %dma_wait3A_833 = arith.constant 0 : i32
      %dma_wait3A_834 = arith.constant 0 : i32
      %dma_wait3A_835 = tpu.memref_slice %arg6[%dma_wait3A_832, %dma_wait3A_833, %dma_wait3A_834] : memref<8x8x1024xf32, #tpu.memory_space<vmem>> -> memref<1x8x1024xf32, #tpu.memory_space<vmem>>
      %dma_wait3A_836 = tpu.memref_squeeze %dma_wait3A_835 : memref<1x8x1024xf32, #tpu.memory_space<vmem>> -> memref<8x1024xf32, #tpu.memory_space<vmem>>
      %dma_wait3A_837 = tpu.memref_slice %arg5[%mul3A_831] : memref<1024xi32, #tpu.memory_space<vmem>> -> memref<8xi32, #tpu.memory_space<vmem>>
      %dma_wait3A_838 = arith.constant 0 : i32
      %dma_wait3A_839 = arith.constant 0 : i32
      %dma_wait3A_840 = tpu.memref_slice %arg2[%dma_wait3A_838, %dma_wait3A_839] : memref<2048x1024xf32, #tpu.memory_space<hbm>> -> memref<2048x1024xf32, #tpu.memory_space<hbm>>
      tpu.wait_indirect_dma semaphore(%arg9 : memref<!tpu.dma_semaphore, #tpu.memory_space<semaphore_mem>>) src(%dma_wait3A_840 : memref<2048x1024xf32, #tpu.memory_space<hbm>>) dst(%dma_wait3A_836 : memref<8x1024xf32, #tpu.memory_space<vmem>>)
      %mul3A_841 = arith.constant 8 : i32
      %mul3A_842 = arith.muli %sub3A_829, %mul3A_841 : i32
      %add3A_843 = arith.addi %mul3A_2, %mul3A_842 : i32
      %dma_start3A_844 = arith.constant 2 : i32
      %dma_start3A_845 = arith.constant 0 : i32
      %dma_start3A_846 = arith.constant 0 : i32
      %dma_start3A_847 = tpu.memref_slice %arg6[%dma_start3A_844, %dma_start3A_845, %dma_start3A_846] : memref<8x8x1024xf32, #tpu.memory_space<vmem>> -> memref<1x8x1024xf32, #tpu.memory_space<vmem>>
      %dma_start3A_848 = tpu.memref_squeeze %dma_start3A_847 : memref<1x8x1024xf32, #tpu.memory_space<vmem>> -> memref<8x1024xf32, #tpu.memory_space<vmem>>
      %dma_start3A_849 = arith.constant 0 : i32
      %dma_start3A_850 = tpu.memref_slice %arg4[%add3A_843, %dma_start3A_849] : memref<32768x1024xf32, #tpu.memory_space<hbm>> -> memref<8x1024xf32, #tpu.memory_space<hbm>>
      %dma_start3A_851 = arith.constant 0 : i32
      %dma_start3A_852 = tpu.memref_slice %arg4[%add3A_843, %dma_start3A_851] : memref<32768x1024xf32, #tpu.memory_space<hbm>> -> memref<8x1024xf32, #tpu.memory_space<hbm>>
      %dma_start3A_853 = arith.constant 0 : i32
      %dma_start3A_854 = arith.constant 0 : i32
      %dma_start3A_855 = tpu.memref_slice %arg6[%dma_start3A_844, %dma_start3A_853, %dma_start3A_854] : memref<8x8x1024xf32, #tpu.memory_space<vmem>> -> memref<1x8x1024xf32, #tpu.memory_space<vmem>>
      %dma_start3A_856 = tpu.memref_squeeze %dma_start3A_855 : memref<1x8x1024xf32, #tpu.memory_space<vmem>> -> memref<8x1024xf32, #tpu.memory_space<vmem>>
      tpu.enqueue_dma source(%dma_start3A_856 : memref<8x1024xf32, #tpu.memory_space<vmem>>) target(%dma_start3A_852 : memref<8x1024xf32, #tpu.memory_space<hbm>>) target_semaphore(%arg17 : memref<!tpu.dma_semaphore, #tpu.memory_space<semaphore_mem>>)
      %mul3A_857 = arith.constant 8 : i32
      %mul3A_858 = arith.muli %mul3A_857, %scan3A_423 : i32
      %add3A_859 = arith.constant 7 : i32
      %add3A_860 = arith.addi %mul3A_858, %add3A_859 : i32
      %sub3A_861 = arith.constant 8 : i32
      %sub3A_862 = arith.subi %add3A_860, %sub3A_861 : i32
      %mul3A_863 = arith.constant 8 : i32
      %mul3A_864 = arith.muli %sub3A_862, %mul3A_863 : i32
      %add3A_865 = arith.addi %mul3A_2, %mul3A_864 : i32
      %dma_wait3A_866 = arith.constant 7 : i32
      %dma_wait3A_867 = arith.constant 0 : i32
      %dma_wait3A_868 = arith.constant 0 : i32
      %dma_wait3A_869 = tpu.memref_slice %arg6[%dma_wait3A_866, %dma_wait3A_867, %dma_wait3A_868] : memref<8x8x1024xf32, #tpu.memory_space<vmem>> -> memref<1x8x1024xf32, #tpu.memory_space<vmem>>
      %dma_wait3A_870 = tpu.memref_squeeze %dma_wait3A_869 : memref<1x8x1024xf32, #tpu.memory_space<vmem>> -> memref<8x1024xf32, #tpu.memory_space<vmem>>
      %dma_wait3A_871 = arith.constant 0 : i32
      %dma_wait3A_872 = tpu.memref_slice %arg4[%add3A_865, %dma_wait3A_871] : memref<32768x1024xf32, #tpu.memory_space<hbm>> -> memref<8x1024xf32, #tpu.memory_space<hbm>>
      %dma_wait3A_873 = arith.constant 0 : i32
      %dma_wait3A_874 = tpu.memref_slice %arg4[%add3A_865, %dma_wait3A_873] : memref<32768x1024xf32, #tpu.memory_space<hbm>> -> memref<8x1024xf32, #tpu.memory_space<hbm>>
      %dma_wait3A_875 = arith.constant 0 : i32
      %dma_wait3A_876 = arith.constant 0 : i32
      %dma_wait3A_877 = tpu.memref_slice %arg6[%dma_wait3A_866, %dma_wait3A_875, %dma_wait3A_876] : memref<8x8x1024xf32, #tpu.memory_space<vmem>> -> memref<1x8x1024xf32, #tpu.memory_space<vmem>>
      %dma_wait3A_878 = tpu.memref_squeeze %dma_wait3A_877 : memref<1x8x1024xf32, #tpu.memory_space<vmem>> -> memref<8x1024xf32, #tpu.memory_space<vmem>>
      tpu.wait_dma2 semaphore(%arg22 : memref<!tpu.dma_semaphore, #tpu.memory_space<semaphore_mem>>) src(%dma_wait3A_878 : memref<8x1024xf32, #tpu.memory_space<vmem>>) dst(%dma_wait3A_874 : memref<8x1024xf32, #tpu.memory_space<hbm>>)
      %mul3A_879 = arith.constant 8 : i32
      %mul3A_880 = arith.muli %add3A_860, %mul3A_879 : i32
      %dma_start3A_881 = arith.constant 7 : i32
      %dma_start3A_882 = arith.constant 0 : i32
      %dma_start3A_883 = arith.constant 0 : i32
      %dma_start3A_884 = tpu.memref_slice %arg6[%dma_start3A_881, %dma_start3A_882, %dma_start3A_883] : memref<8x8x1024xf32, #tpu.memory_space<vmem>> -> memref<1x8x1024xf32, #tpu.memory_space<vmem>>
      %dma_start3A_885 = tpu.memref_squeeze %dma_start3A_884 : memref<1x8x1024xf32, #tpu.memory_space<vmem>> -> memref<8x1024xf32, #tpu.memory_space<vmem>>
      %dma_start3A_886 = tpu.memref_slice %arg5[%mul3A_880] : memref<1024xi32, #tpu.memory_space<vmem>> -> memref<8xi32, #tpu.memory_space<vmem>>
      %dma_start3A_887 = arith.constant 0 : i32
      %dma_start3A_888 = arith.constant 0 : i32
      %dma_start3A_889 = tpu.memref_slice %arg2[%dma_start3A_887, %dma_start3A_888] : memref<2048x1024xf32, #tpu.memory_space<hbm>> -> memref<2048x1024xf32, #tpu.memory_space<hbm>>
      tpu.enqueue_indirect_dma source(%dma_start3A_889 : memref<2048x1024xf32, #tpu.memory_space<hbm>>) target(%dma_start3A_885 : memref<8x1024xf32, #tpu.memory_space<vmem>>) offsets(%dma_start3A_886 : memref<8xi32, #tpu.memory_space<vmem>>) semaphore(%arg14 : memref<!tpu.dma_semaphore, #tpu.memory_space<semaphore_mem>>)
      %sub3A_890 = arith.constant 4 : i32
      %sub3A_891 = arith.subi %add3A_860, %sub3A_890 : i32
      %mul3A_892 = arith.constant 8 : i32
      %mul3A_893 = arith.muli %sub3A_891, %mul3A_892 : i32
      %dma_wait3A_894 = arith.constant 3 : i32
      %dma_wait3A_895 = arith.constant 0 : i32
      %dma_wait3A_896 = arith.constant 0 : i32
      %dma_wait3A_897 = tpu.memref_slice %arg6[%dma_wait3A_894, %dma_wait3A_895, %dma_wait3A_896] : memref<8x8x1024xf32, #tpu.memory_space<vmem>> -> memref<1x8x1024xf32, #tpu.memory_space<vmem>>
      %dma_wait3A_898 = tpu.memref_squeeze %dma_wait3A_897 : memref<1x8x1024xf32, #tpu.memory_space<vmem>> -> memref<8x1024xf32, #tpu.memory_space<vmem>>
      %dma_wait3A_899 = tpu.memref_slice %arg5[%mul3A_893] : memref<1024xi32, #tpu.memory_space<vmem>> -> memref<8xi32, #tpu.memory_space<vmem>>
      %dma_wait3A_900 = arith.constant 0 : i32
      %dma_wait3A_901 = arith.constant 0 : i32
      %dma_wait3A_902 = tpu.memref_slice %arg2[%dma_wait3A_900, %dma_wait3A_901] : memref<2048x1024xf32, #tpu.memory_space<hbm>> -> memref<2048x1024xf32, #tpu.memory_space<hbm>>
      tpu.wait_indirect_dma semaphore(%arg10 : memref<!tpu.dma_semaphore, #tpu.memory_space<semaphore_mem>>) src(%dma_wait3A_902 : memref<2048x1024xf32, #tpu.memory_space<hbm>>) dst(%dma_wait3A_898 : memref<8x1024xf32, #tpu.memory_space<vmem>>)
      %mul3A_903 = arith.constant 8 : i32
      %mul3A_904 = arith.muli %sub3A_891, %mul3A_903 : i32
      %add3A_905 = arith.addi %mul3A_2, %mul3A_904 : i32
      %dma_start3A_906 = arith.constant 3 : i32
      %dma_start3A_907 = arith.constant 0 : i32
      %dma_start3A_908 = arith.constant 0 : i32
      %dma_start3A_909 = tpu.memref_slice %arg6[%dma_start3A_906, %dma_start3A_907, %dma_start3A_908] : memref<8x8x1024xf32, #tpu.memory_space<vmem>> -> memref<1x8x1024xf32, #tpu.memory_space<vmem>>
      %dma_start3A_910 = tpu.memref_squeeze %dma_start3A_909 : memref<1x8x1024xf32, #tpu.memory_space<vmem>> -> memref<8x1024xf32, #tpu.memory_space<vmem>>
      %dma_start3A_911 = arith.constant 0 : i32
      %dma_start3A_912 = tpu.memref_slice %arg4[%add3A_905, %dma_start3A_911] : memref<32768x1024xf32, #tpu.memory_space<hbm>> -> memref<8x1024xf32, #tpu.memory_space<hbm>>
      %dma_start3A_913 = arith.constant 0 : i32
      %dma_start3A_914 = tpu.memref_slice %arg4[%add3A_905, %dma_start3A_913] : memref<32768x1024xf32, #tpu.memory_space<hbm>> -> memref<8x1024xf32, #tpu.memory_space<hbm>>
      %dma_start3A_915 = arith.constant 0 : i32
      %dma_start3A_916 = arith.constant 0 : i32
      %dma_start3A_917 = tpu.memref_slice %arg6[%dma_start3A_906, %dma_start3A_915, %dma_start3A_916] : memref<8x8x1024xf32, #tpu.memory_space<vmem>> -> memref<1x8x1024xf32, #tpu.memory_space<vmem>>
      %dma_start3A_918 = tpu.memref_squeeze %dma_start3A_917 : memref<1x8x1024xf32, #tpu.memory_space<vmem>> -> memref<8x1024xf32, #tpu.memory_space<vmem>>
      tpu.enqueue_dma source(%dma_start3A_918 : memref<8x1024xf32, #tpu.memory_space<vmem>>) target(%dma_start3A_914 : memref<8x1024xf32, #tpu.memory_space<hbm>>) target_semaphore(%arg18 : memref<!tpu.dma_semaphore, #tpu.memory_space<semaphore_mem>>)
    }
    %scan3A_202 = arith.constant 15 : i32
    %dma_wait3A_203 = arith.constant 4 : i32
    %dma_wait3A_204 = arith.constant 0 : i32
    %dma_wait3A_205 = arith.constant 0 : i32
    %dma_wait3A_206 = tpu.memref_slice %arg6[%dma_wait3A_203, %dma_wait3A_204, %dma_wait3A_205] : memref<8x8x1024xf32, #tpu.memory_space<vmem>> -> memref<1x8x1024xf32, #tpu.memory_space<vmem>>
    %dma_wait3A_207 = tpu.memref_squeeze %dma_wait3A_206 : memref<1x8x1024xf32, #tpu.memory_space<vmem>> -> memref<8x1024xf32, #tpu.memory_space<vmem>>
    %dma_wait3A_208 = arith.constant 992 : i32
    %dma_wait3A_209 = tpu.memref_slice %arg5[%dma_wait3A_208] : memref<1024xi32, #tpu.memory_space<vmem>> -> memref<8xi32, #tpu.memory_space<vmem>>
    %dma_wait3A_210 = arith.constant 0 : i32
    %dma_wait3A_211 = arith.constant 0 : i32
    %dma_wait3A_212 = tpu.memref_slice %arg2[%dma_wait3A_210, %dma_wait3A_211] : memref<2048x1024xf32, #tpu.memory_space<hbm>> -> memref<2048x1024xf32, #tpu.memory_space<hbm>>
    tpu.wait_indirect_dma semaphore(%arg11 : memref<!tpu.dma_semaphore, #tpu.memory_space<semaphore_mem>>) src(%dma_wait3A_212 : memref<2048x1024xf32, #tpu.memory_space<hbm>>) dst(%dma_wait3A_207 : memref<8x1024xf32, #tpu.memory_space<vmem>>)
    %add3A_213 = arith.constant 992 : i32
    %add3A_214 = arith.addi %mul3A_2, %add3A_213 : i32
    %dma_start3A_215 = arith.constant 4 : i32
    %dma_start3A_216 = arith.constant 0 : i32
    %dma_start3A_217 = arith.constant 0 : i32
    %dma_start3A_218 = tpu.memref_slice %arg6[%dma_start3A_215, %dma_start3A_216, %dma_start3A_217] : memref<8x8x1024xf32, #tpu.memory_space<vmem>> -> memref<1x8x1024xf32, #tpu.memory_space<vmem>>
    %dma_start3A_219 = tpu.memref_squeeze %dma_start3A_218 : memref<1x8x1024xf32, #tpu.memory_space<vmem>> -> memref<8x1024xf32, #tpu.memory_space<vmem>>
    %dma_start3A_220 = arith.constant 0 : i32
    %dma_start3A_221 = tpu.memref_slice %arg4[%add3A_214, %dma_start3A_220] : memref<32768x1024xf32, #tpu.memory_space<hbm>> -> memref<8x1024xf32, #tpu.memory_space<hbm>>
    %dma_start3A_222 = arith.constant 0 : i32
    %dma_start3A_223 = tpu.memref_slice %arg4[%add3A_214, %dma_start3A_222] : memref<32768x1024xf32, #tpu.memory_space<hbm>> -> memref<8x1024xf32, #tpu.memory_space<hbm>>
    %dma_start3A_224 = arith.constant 0 : i32
    %dma_start3A_225 = arith.constant 0 : i32
    %dma_start3A_226 = tpu.memref_slice %arg6[%dma_start3A_215, %dma_start3A_224, %dma_start3A_225] : memref<8x8x1024xf32, #tpu.memory_space<vmem>> -> memref<1x8x1024xf32, #tpu.memory_space<vmem>>
    %dma_start3A_227 = tpu.memref_squeeze %dma_start3A_226 : memref<1x8x1024xf32, #tpu.memory_space<vmem>> -> memref<8x1024xf32, #tpu.memory_space<vmem>>
    tpu.enqueue_dma source(%dma_start3A_227 : memref<8x1024xf32, #tpu.memory_space<vmem>>) target(%dma_start3A_223 : memref<8x1024xf32, #tpu.memory_space<hbm>>) target_semaphore(%arg19 : memref<!tpu.dma_semaphore, #tpu.memory_space<semaphore_mem>>)
    %dma_wait3A_228 = arith.constant 5 : i32
    %dma_wait3A_229 = arith.constant 0 : i32
    %dma_wait3A_230 = arith.constant 0 : i32
    %dma_wait3A_231 = tpu.memref_slice %arg6[%dma_wait3A_228, %dma_wait3A_229, %dma_wait3A_230] : memref<8x8x1024xf32, #tpu.memory_space<vmem>> -> memref<1x8x1024xf32, #tpu.memory_space<vmem>>
    %dma_wait3A_232 = tpu.memref_squeeze %dma_wait3A_231 : memref<1x8x1024xf32, #tpu.memory_space<vmem>> -> memref<8x1024xf32, #tpu.memory_space<vmem>>
    %dma_wait3A_233 = arith.constant 1000 : i32
    %dma_wait3A_234 = tpu.memref_slice %arg5[%dma_wait3A_233] : memref<1024xi32, #tpu.memory_space<vmem>> -> memref<8xi32, #tpu.memory_space<vmem>>
    %dma_wait3A_235 = arith.constant 0 : i32
    %dma_wait3A_236 = arith.constant 0 : i32
    %dma_wait3A_237 = tpu.memref_slice %arg2[%dma_wait3A_235, %dma_wait3A_236] : memref<2048x1024xf32, #tpu.memory_space<hbm>> -> memref<2048x1024xf32, #tpu.memory_space<hbm>>
    tpu.wait_indirect_dma semaphore(%arg12 : memref<!tpu.dma_semaphore, #tpu.memory_space<semaphore_mem>>) src(%dma_wait3A_237 : memref<2048x1024xf32, #tpu.memory_space<hbm>>) dst(%dma_wait3A_232 : memref<8x1024xf32, #tpu.memory_space<vmem>>)
    %add3A_238 = arith.constant 1000 : i32
    %add3A_239 = arith.addi %mul3A_2, %add3A_238 : i32
    %dma_start3A_240 = arith.constant 5 : i32
    %dma_start3A_241 = arith.constant 0 : i32
    %dma_start3A_242 = arith.constant 0 : i32
    %dma_start3A_243 = tpu.memref_slice %arg6[%dma_start3A_240, %dma_start3A_241, %dma_start3A_242] : memref<8x8x1024xf32, #tpu.memory_space<vmem>> -> memref<1x8x1024xf32, #tpu.memory_space<vmem>>
    %dma_start3A_244 = tpu.memref_squeeze %dma_start3A_243 : memref<1x8x1024xf32, #tpu.memory_space<vmem>> -> memref<8x1024xf32, #tpu.memory_space<vmem>>
    %dma_start3A_245 = arith.constant 0 : i32
    %dma_start3A_246 = tpu.memref_slice %arg4[%add3A_239, %dma_start3A_245] : memref<32768x1024xf32, #tpu.memory_space<hbm>> -> memref<8x1024xf32, #tpu.memory_space<hbm>>
    %dma_start3A_247 = arith.constant 0 : i32
    %dma_start3A_248 = tpu.memref_slice %arg4[%add3A_239, %dma_start3A_247] : memref<32768x1024xf32, #tpu.memory_space<hbm>> -> memref<8x1024xf32, #tpu.memory_space<hbm>>
    %dma_start3A_249 = arith.constant 0 : i32
    %dma_start3A_250 = arith.constant 0 : i32
    %dma_start3A_251 = tpu.memref_slice %arg6[%dma_start3A_240, %dma_start3A_249, %dma_start3A_250] : memref<8x8x1024xf32, #tpu.memory_space<vmem>> -> memref<1x8x1024xf32, #tpu.memory_space<vmem>>
    %dma_start3A_252 = tpu.memref_squeeze %dma_start3A_251 : memref<1x8x1024xf32, #tpu.memory_space<vmem>> -> memref<8x1024xf32, #tpu.memory_space<vmem>>
    tpu.enqueue_dma source(%dma_start3A_252 : memref<8x1024xf32, #tpu.memory_space<vmem>>) target(%dma_start3A_248 : memref<8x1024xf32, #tpu.memory_space<hbm>>) target_semaphore(%arg20 : memref<!tpu.dma_semaphore, #tpu.memory_space<semaphore_mem>>)
    %dma_wait3A_253 = arith.constant 6 : i32
    %dma_wait3A_254 = arith.constant 0 : i32
    %dma_wait3A_255 = arith.constant 0 : i32
    %dma_wait3A_256 = tpu.memref_slice %arg6[%dma_wait3A_253, %dma_wait3A_254, %dma_wait3A_255] : memref<8x8x1024xf32, #tpu.memory_space<vmem>> -> memref<1x8x1024xf32, #tpu.memory_space<vmem>>
    %dma_wait3A_257 = tpu.memref_squeeze %dma_wait3A_256 : memref<1x8x1024xf32, #tpu.memory_space<vmem>> -> memref<8x1024xf32, #tpu.memory_space<vmem>>
    %dma_wait3A_258 = arith.constant 1008 : i32
    %dma_wait3A_259 = tpu.memref_slice %arg5[%dma_wait3A_258] : memref<1024xi32, #tpu.memory_space<vmem>> -> memref<8xi32, #tpu.memory_space<vmem>>
    %dma_wait3A_260 = arith.constant 0 : i32
    %dma_wait3A_261 = arith.constant 0 : i32
    %dma_wait3A_262 = tpu.memref_slice %arg2[%dma_wait3A_260, %dma_wait3A_261] : memref<2048x1024xf32, #tpu.memory_space<hbm>> -> memref<2048x1024xf32, #tpu.memory_space<hbm>>
    tpu.wait_indirect_dma semaphore(%arg13 : memref<!tpu.dma_semaphore, #tpu.memory_space<semaphore_mem>>) src(%dma_wait3A_262 : memref<2048x1024xf32, #tpu.memory_space<hbm>>) dst(%dma_wait3A_257 : memref<8x1024xf32, #tpu.memory_space<vmem>>)
    %add3A_263 = arith.constant 1008 : i32
    %add3A_264 = arith.addi %mul3A_2, %add3A_263 : i32
    %dma_start3A_265 = arith.constant 6 : i32
    %dma_start3A_266 = arith.constant 0 : i32
    %dma_start3A_267 = arith.constant 0 : i32
    %dma_start3A_268 = tpu.memref_slice %arg6[%dma_start3A_265, %dma_start3A_266, %dma_start3A_267] : memref<8x8x1024xf32, #tpu.memory_space<vmem>> -> memref<1x8x1024xf32, #tpu.memory_space<vmem>>
    %dma_start3A_269 = tpu.memref_squeeze %dma_start3A_268 : memref<1x8x1024xf32, #tpu.memory_space<vmem>> -> memref<8x1024xf32, #tpu.memory_space<vmem>>
    %dma_start3A_270 = arith.constant 0 : i32
    %dma_start3A_271 = tpu.memref_slice %arg4[%add3A_264, %dma_start3A_270] : memref<32768x1024xf32, #tpu.memory_space<hbm>> -> memref<8x1024xf32, #tpu.memory_space<hbm>>
    %dma_start3A_272 = arith.constant 0 : i32
    %dma_start3A_273 = tpu.memref_slice %arg4[%add3A_264, %dma_start3A_272] : memref<32768x1024xf32, #tpu.memory_space<hbm>> -> memref<8x1024xf32, #tpu.memory_space<hbm>>
    %dma_start3A_274 = arith.constant 0 : i32
    %dma_start3A_275 = arith.constant 0 : i32
    %dma_start3A_276 = tpu.memref_slice %arg6[%dma_start3A_265, %dma_start3A_274, %dma_start3A_275] : memref<8x8x1024xf32, #tpu.memory_space<vmem>> -> memref<1x8x1024xf32, #tpu.memory_space<vmem>>
    %dma_start3A_277 = tpu.memref_squeeze %dma_start3A_276 : memref<1x8x1024xf32, #tpu.memory_space<vmem>> -> memref<8x1024xf32, #tpu.memory_space<vmem>>
    tpu.enqueue_dma source(%dma_start3A_277 : memref<8x1024xf32, #tpu.memory_space<vmem>>) target(%dma_start3A_273 : memref<8x1024xf32, #tpu.memory_space<hbm>>) target_semaphore(%arg21 : memref<!tpu.dma_semaphore, #tpu.memory_space<semaphore_mem>>)
    %dma_wait3A_278 = arith.constant 7 : i32
    %dma_wait3A_279 = arith.constant 0 : i32
    %dma_wait3A_280 = arith.constant 0 : i32
    %dma_wait3A_281 = tpu.memref_slice %arg6[%dma_wait3A_278, %dma_wait3A_279, %dma_wait3A_280] : memref<8x8x1024xf32, #tpu.memory_space<vmem>> -> memref<1x8x1024xf32, #tpu.memory_space<vmem>>
    %dma_wait3A_282 = tpu.memref_squeeze %dma_wait3A_281 : memref<1x8x1024xf32, #tpu.memory_space<vmem>> -> memref<8x1024xf32, #tpu.memory_space<vmem>>
    %dma_wait3A_283 = arith.constant 1016 : i32
    %dma_wait3A_284 = tpu.memref_slice %arg5[%dma_wait3A_283] : memref<1024xi32, #tpu.memory_space<vmem>> -> memref<8xi32, #tpu.memory_space<vmem>>
    %dma_wait3A_285 = arith.constant 0 : i32
    %dma_wait3A_286 = arith.constant 0 : i32
    %dma_wait3A_287 = tpu.memref_slice %arg2[%dma_wait3A_285, %dma_wait3A_286] : memref<2048x1024xf32, #tpu.memory_space<hbm>> -> memref<2048x1024xf32, #tpu.memory_space<hbm>>
    tpu.wait_indirect_dma semaphore(%arg14 : memref<!tpu.dma_semaphore, #tpu.memory_space<semaphore_mem>>) src(%dma_wait3A_287 : memref<2048x1024xf32, #tpu.memory_space<hbm>>) dst(%dma_wait3A_282 : memref<8x1024xf32, #tpu.memory_space<vmem>>)
    %add3A_288 = arith.constant 1016 : i32
    %add3A_289 = arith.addi %mul3A_2, %add3A_288 : i32
    %dma_start3A_290 = arith.constant 7 : i32
    %dma_start3A_291 = arith.constant 0 : i32
    %dma_start3A_292 = arith.constant 0 : i32
    %dma_start3A_293 = tpu.memref_slice %arg6[%dma_start3A_290, %dma_start3A_291, %dma_start3A_292] : memref<8x8x1024xf32, #tpu.memory_space<vmem>> -> memref<1x8x1024xf32, #tpu.memory_space<vmem>>
    %dma_start3A_294 = tpu.memref_squeeze %dma_start3A_293 : memref<1x8x1024xf32, #tpu.memory_space<vmem>> -> memref<8x1024xf32, #tpu.memory_space<vmem>>
    %dma_start3A_295 = arith.constant 0 : i32
    %dma_start3A_296 = tpu.memref_slice %arg4[%add3A_289, %dma_start3A_295] : memref<32768x1024xf32, #tpu.memory_space<hbm>> -> memref<8x1024xf32, #tpu.memory_space<hbm>>
    %dma_start3A_297 = arith.constant 0 : i32
    %dma_start3A_298 = tpu.memref_slice %arg4[%add3A_289, %dma_start3A_297] : memref<32768x1024xf32, #tpu.memory_space<hbm>> -> memref<8x1024xf32, #tpu.memory_space<hbm>>
    %dma_start3A_299 = arith.constant 0 : i32
    %dma_start3A_300 = arith.constant 0 : i32
    %dma_start3A_301 = tpu.memref_slice %arg6[%dma_start3A_290, %dma_start3A_299, %dma_start3A_300] : memref<8x8x1024xf32, #tpu.memory_space<vmem>> -> memref<1x8x1024xf32, #tpu.memory_space<vmem>>
    %dma_start3A_302 = tpu.memref_squeeze %dma_start3A_301 : memref<1x8x1024xf32, #tpu.memory_space<vmem>> -> memref<8x1024xf32, #tpu.memory_space<vmem>>
    tpu.enqueue_dma source(%dma_start3A_302 : memref<8x1024xf32, #tpu.memory_space<vmem>>) target(%dma_start3A_298 : memref<8x1024xf32, #tpu.memory_space<hbm>>) target_semaphore(%arg22 : memref<!tpu.dma_semaphore, #tpu.memory_space<semaphore_mem>>)
    %add3A_303 = arith.constant 960 : i32
    %add3A_304 = arith.addi %mul3A_2, %add3A_303 : i32
    %dma_wait3A_305 = arith.constant 0 : i32
    %dma_wait3A_306 = arith.constant 0 : i32
    %dma_wait3A_307 = arith.constant 0 : i32
    %dma_wait3A_308 = tpu.memref_slice %arg6[%dma_wait3A_305, %dma_wait3A_306, %dma_wait3A_307] : memref<8x8x1024xf32, #tpu.memory_space<vmem>> -> memref<1x8x1024xf32, #tpu.memory_space<vmem>>
    %dma_wait3A_309 = tpu.memref_squeeze %dma_wait3A_308 : memref<1x8x1024xf32, #tpu.memory_space<vmem>> -> memref<8x1024xf32, #tpu.memory_space<vmem>>
    %dma_wait3A_310 = arith.constant 0 : i32
    %dma_wait3A_311 = tpu.memref_slice %arg4[%add3A_304, %dma_wait3A_310] : memref<32768x1024xf32, #tpu.memory_space<hbm>> -> memref<8x1024xf32, #tpu.memory_space<hbm>>
    %dma_wait3A_312 = arith.constant 0 : i32
    %dma_wait3A_313 = tpu.memref_slice %arg4[%add3A_304, %dma_wait3A_312] : memref<32768x1024xf32, #tpu.memory_space<hbm>> -> memref<8x1024xf32, #tpu.memory_space<hbm>>
    %dma_wait3A_314 = arith.constant 0 : i32
    %dma_wait3A_315 = arith.constant 0 : i32
    %dma_wait3A_316 = tpu.memref_slice %arg6[%dma_wait3A_305, %dma_wait3A_314, %dma_wait3A_315] : memref<8x8x1024xf32, #tpu.memory_space<vmem>> -> memref<1x8x1024xf32, #tpu.memory_space<vmem>>
    %dma_wait3A_317 = tpu.memref_squeeze %dma_wait3A_316 : memref<1x8x1024xf32, #tpu.memory_space<vmem>> -> memref<8x1024xf32, #tpu.memory_space<vmem>>
    tpu.wait_dma2 semaphore(%arg15 : memref<!tpu.dma_semaphore, #tpu.memory_space<semaphore_mem>>) src(%dma_wait3A_317 : memref<8x1024xf32, #tpu.memory_space<vmem>>) dst(%dma_wait3A_313 : memref<8x1024xf32, #tpu.memory_space<hbm>>)
    %add3A_318 = arith.constant 968 : i32
    %add3A_319 = arith.addi %mul3A_2, %add3A_318 : i32
    %dma_wait3A_320 = arith.constant 1 : i32
    %dma_wait3A_321 = arith.constant 0 : i32
    %dma_wait3A_322 = arith.constant 0 : i32
    %dma_wait3A_323 = tpu.memref_slice %arg6[%dma_wait3A_320, %dma_wait3A_321, %dma_wait3A_322] : memref<8x8x1024xf32, #tpu.memory_space<vmem>> -> memref<1x8x1024xf32, #tpu.memory_space<vmem>>
    %dma_wait3A_324 = tpu.memref_squeeze %dma_wait3A_323 : memref<1x8x1024xf32, #tpu.memory_space<vmem>> -> memref<8x1024xf32, #tpu.memory_space<vmem>>
    %dma_wait3A_325 = arith.constant 0 : i32
    %dma_wait3A_326 = tpu.memref_slice %arg4[%add3A_319, %dma_wait3A_325] : memref<32768x1024xf32, #tpu.memory_space<hbm>> -> memref<8x1024xf32, #tpu.memory_space<hbm>>
    %dma_wait3A_327 = arith.constant 0 : i32
    %dma_wait3A_328 = tpu.memref_slice %arg4[%add3A_319, %dma_wait3A_327] : memref<32768x1024xf32, #tpu.memory_space<hbm>> -> memref<8x1024xf32, #tpu.memory_space<hbm>>
    %dma_wait3A_329 = arith.constant 0 : i32
    %dma_wait3A_330 = arith.constant 0 : i32
    %dma_wait3A_331 = tpu.memref_slice %arg6[%dma_wait3A_320, %dma_wait3A_329, %dma_wait3A_330] : memref<8x8x1024xf32, #tpu.memory_space<vmem>> -> memref<1x8x1024xf32, #tpu.memory_space<vmem>>
    %dma_wait3A_332 = tpu.memref_squeeze %dma_wait3A_331 : memref<1x8x1024xf32, #tpu.memory_space<vmem>> -> memref<8x1024xf32, #tpu.memory_space<vmem>>
    tpu.wait_dma2 semaphore(%arg16 : memref<!tpu.dma_semaphore, #tpu.memory_space<semaphore_mem>>) src(%dma_wait3A_332 : memref<8x1024xf32, #tpu.memory_space<vmem>>) dst(%dma_wait3A_328 : memref<8x1024xf32, #tpu.memory_space<hbm>>)
    %add3A_333 = arith.constant 976 : i32
    %add3A_334 = arith.addi %mul3A_2, %add3A_333 : i32
    %dma_wait3A_335 = arith.constant 2 : i32
    %dma_wait3A_336 = arith.constant 0 : i32
    %dma_wait3A_337 = arith.constant 0 : i32
    %dma_wait3A_338 = tpu.memref_slice %arg6[%dma_wait3A_335, %dma_wait3A_336, %dma_wait3A_337] : memref<8x8x1024xf32, #tpu.memory_space<vmem>> -> memref<1x8x1024xf32, #tpu.memory_space<vmem>>
    %dma_wait3A_339 = tpu.memref_squeeze %dma_wait3A_338 : memref<1x8x1024xf32, #tpu.memory_space<vmem>> -> memref<8x1024xf32, #tpu.memory_space<vmem>>
    %dma_wait3A_340 = arith.constant 0 : i32
    %dma_wait3A_341 = tpu.memref_slice %arg4[%add3A_334, %dma_wait3A_340] : memref<32768x1024xf32, #tpu.memory_space<hbm>> -> memref<8x1024xf32, #tpu.memory_space<hbm>>
    %dma_wait3A_342 = arith.constant 0 : i32
    %dma_wait3A_343 = tpu.memref_slice %arg4[%add3A_334, %dma_wait3A_342] : memref<32768x1024xf32, #tpu.memory_space<hbm>> -> memref<8x1024xf32, #tpu.memory_space<hbm>>
    %dma_wait3A_344 = arith.constant 0 : i32
    %dma_wait3A_345 = arith.constant 0 : i32
    %dma_wait3A_346 = tpu.memref_slice %arg6[%dma_wait3A_335, %dma_wait3A_344, %dma_wait3A_345] : memref<8x8x1024xf32, #tpu.memory_space<vmem>> -> memref<1x8x1024xf32, #tpu.memory_space<vmem>>
    %dma_wait3A_347 = tpu.memref_squeeze %dma_wait3A_346 : memref<1x8x1024xf32, #tpu.memory_space<vmem>> -> memref<8x1024xf32, #tpu.memory_space<vmem>>
    tpu.wait_dma2 semaphore(%arg17 : memref<!tpu.dma_semaphore, #tpu.memory_space<semaphore_mem>>) src(%dma_wait3A_347 : memref<8x1024xf32, #tpu.memory_space<vmem>>) dst(%dma_wait3A_343 : memref<8x1024xf32, #tpu.memory_space<hbm>>)
    %add3A_348 = arith.constant 984 : i32
    %add3A_349 = arith.addi %mul3A_2, %add3A_348 : i32
    %dma_wait3A_350 = arith.constant 3 : i32
    %dma_wait3A_351 = arith.constant 0 : i32
    %dma_wait3A_352 = arith.constant 0 : i32
    %dma_wait3A_353 = tpu.memref_slice %arg6[%dma_wait3A_350, %dma_wait3A_351, %dma_wait3A_352] : memref<8x8x1024xf32, #tpu.memory_space<vmem>> -> memref<1x8x1024xf32, #tpu.memory_space<vmem>>
    %dma_wait3A_354 = tpu.memref_squeeze %dma_wait3A_353 : memref<1x8x1024xf32, #tpu.memory_space<vmem>> -> memref<8x1024xf32, #tpu.memory_space<vmem>>
    %dma_wait3A_355 = arith.constant 0 : i32
    %dma_wait3A_356 = tpu.memref_slice %arg4[%add3A_349, %dma_wait3A_355] : memref<32768x1024xf32, #tpu.memory_space<hbm>> -> memref<8x1024xf32, #tpu.memory_space<hbm>>
    %dma_wait3A_357 = arith.constant 0 : i32
    %dma_wait3A_358 = tpu.memref_slice %arg4[%add3A_349, %dma_wait3A_357] : memref<32768x1024xf32, #tpu.memory_space<hbm>> -> memref<8x1024xf32, #tpu.memory_space<hbm>>
    %dma_wait3A_359 = arith.constant 0 : i32
    %dma_wait3A_360 = arith.constant 0 : i32
    %dma_wait3A_361 = tpu.memref_slice %arg6[%dma_wait3A_350, %dma_wait3A_359, %dma_wait3A_360] : memref<8x8x1024xf32, #tpu.memory_space<vmem>> -> memref<1x8x1024xf32, #tpu.memory_space<vmem>>
    %dma_wait3A_362 = tpu.memref_squeeze %dma_wait3A_361 : memref<1x8x1024xf32, #tpu.memory_space<vmem>> -> memref<8x1024xf32, #tpu.memory_space<vmem>>
    tpu.wait_dma2 semaphore(%arg18 : memref<!tpu.dma_semaphore, #tpu.memory_space<semaphore_mem>>) src(%dma_wait3A_362 : memref<8x1024xf32, #tpu.memory_space<vmem>>) dst(%dma_wait3A_358 : memref<8x1024xf32, #tpu.memory_space<hbm>>)
    %add3A_363 = arith.constant 992 : i32
    %add3A_364 = arith.addi %mul3A_2, %add3A_363 : i32
    %dma_wait3A_365 = arith.constant 4 : i32
    %dma_wait3A_366 = arith.constant 0 : i32
    %dma_wait3A_367 = arith.constant 0 : i32
    %dma_wait3A_368 = tpu.memref_slice %arg6[%dma_wait3A_365, %dma_wait3A_366, %dma_wait3A_367] : memref<8x8x1024xf32, #tpu.memory_space<vmem>> -> memref<1x8x1024xf32, #tpu.memory_space<vmem>>
    %dma_wait3A_369 = tpu.memref_squeeze %dma_wait3A_368 : memref<1x8x1024xf32, #tpu.memory_space<vmem>> -> memref<8x1024xf32, #tpu.memory_space<vmem>>
    %dma_wait3A_370 = arith.constant 0 : i32
    %dma_wait3A_371 = tpu.memref_slice %arg4[%add3A_364, %dma_wait3A_370] : memref<32768x1024xf32, #tpu.memory_space<hbm>> -> memref<8x1024xf32, #tpu.memory_space<hbm>>
    %dma_wait3A_372 = arith.constant 0 : i32
    %dma_wait3A_373 = tpu.memref_slice %arg4[%add3A_364, %dma_wait3A_372] : memref<32768x1024xf32, #tpu.memory_space<hbm>> -> memref<8x1024xf32, #tpu.memory_space<hbm>>
    %dma_wait3A_374 = arith.constant 0 : i32
    %dma_wait3A_375 = arith.constant 0 : i32
    %dma_wait3A_376 = tpu.memref_slice %arg6[%dma_wait3A_365, %dma_wait3A_374, %dma_wait3A_375] : memref<8x8x1024xf32, #tpu.memory_space<vmem>> -> memref<1x8x1024xf32, #tpu.memory_space<vmem>>
    %dma_wait3A_377 = tpu.memref_squeeze %dma_wait3A_376 : memref<1x8x1024xf32, #tpu.memory_space<vmem>> -> memref<8x1024xf32, #tpu.memory_space<vmem>>
    tpu.wait_dma2 semaphore(%arg19 : memref<!tpu.dma_semaphore, #tpu.memory_space<semaphore_mem>>) src(%dma_wait3A_377 : memref<8x1024xf32, #tpu.memory_space<vmem>>) dst(%dma_wait3A_373 : memref<8x1024xf32, #tpu.memory_space<hbm>>)
    %add3A_378 = arith.constant 1000 : i32
    %add3A_379 = arith.addi %mul3A_2, %add3A_378 : i32
    %dma_wait3A_380 = arith.constant 5 : i32
    %dma_wait3A_381 = arith.constant 0 : i32
    %dma_wait3A_382 = arith.constant 0 : i32
    %dma_wait3A_383 = tpu.memref_slice %arg6[%dma_wait3A_380, %dma_wait3A_381, %dma_wait3A_382] : memref<8x8x1024xf32, #tpu.memory_space<vmem>> -> memref<1x8x1024xf32, #tpu.memory_space<vmem>>
    %dma_wait3A_384 = tpu.memref_squeeze %dma_wait3A_383 : memref<1x8x1024xf32, #tpu.memory_space<vmem>> -> memref<8x1024xf32, #tpu.memory_space<vmem>>
    %dma_wait3A_385 = arith.constant 0 : i32
    %dma_wait3A_386 = tpu.memref_slice %arg4[%add3A_379, %dma_wait3A_385] : memref<32768x1024xf32, #tpu.memory_space<hbm>> -> memref<8x1024xf32, #tpu.memory_space<hbm>>
    %dma_wait3A_387 = arith.constant 0 : i32
    %dma_wait3A_388 = tpu.memref_slice %arg4[%add3A_379, %dma_wait3A_387] : memref<32768x1024xf32, #tpu.memory_space<hbm>> -> memref<8x1024xf32, #tpu.memory_space<hbm>>
    %dma_wait3A_389 = arith.constant 0 : i32
    %dma_wait3A_390 = arith.constant 0 : i32
    %dma_wait3A_391 = tpu.memref_slice %arg6[%dma_wait3A_380, %dma_wait3A_389, %dma_wait3A_390] : memref<8x8x1024xf32, #tpu.memory_space<vmem>> -> memref<1x8x1024xf32, #tpu.memory_space<vmem>>
    %dma_wait3A_392 = tpu.memref_squeeze %dma_wait3A_391 : memref<1x8x1024xf32, #tpu.memory_space<vmem>> -> memref<8x1024xf32, #tpu.memory_space<vmem>>
    tpu.wait_dma2 semaphore(%arg20 : memref<!tpu.dma_semaphore, #tpu.memory_space<semaphore_mem>>) src(%dma_wait3A_392 : memref<8x1024xf32, #tpu.memory_space<vmem>>) dst(%dma_wait3A_388 : memref<8x1024xf32, #tpu.memory_space<hbm>>)
    %add3A_393 = arith.constant 1008 : i32
    %add3A_394 = arith.addi %mul3A_2, %add3A_393 : i32
    %dma_wait3A_395 = arith.constant 6 : i32
    %dma_wait3A_396 = arith.constant 0 : i32
    %dma_wait3A_397 = arith.constant 0 : i32
    %dma_wait3A_398 = tpu.memref_slice %arg6[%dma_wait3A_395, %dma_wait3A_396, %dma_wait3A_397] : memref<8x8x1024xf32, #tpu.memory_space<vmem>> -> memref<1x8x1024xf32, #tpu.memory_space<vmem>>
    %dma_wait3A_399 = tpu.memref_squeeze %dma_wait3A_398 : memref<1x8x1024xf32, #tpu.memory_space<vmem>> -> memref<8x1024xf32, #tpu.memory_space<vmem>>
    %dma_wait3A_400 = arith.constant 0 : i32
    %dma_wait3A_401 = tpu.memref_slice %arg4[%add3A_394, %dma_wait3A_400] : memref<32768x1024xf32, #tpu.memory_space<hbm>> -> memref<8x1024xf32, #tpu.memory_space<hbm>>
    %dma_wait3A_402 = arith.constant 0 : i32
    %dma_wait3A_403 = tpu.memref_slice %arg4[%add3A_394, %dma_wait3A_402] : memref<32768x1024xf32, #tpu.memory_space<hbm>> -> memref<8x1024xf32, #tpu.memory_space<hbm>>
    %dma_wait3A_404 = arith.constant 0 : i32
    %dma_wait3A_405 = arith.constant 0 : i32
    %dma_wait3A_406 = tpu.memref_slice %arg6[%dma_wait3A_395, %dma_wait3A_404, %dma_wait3A_405] : memref<8x8x1024xf32, #tpu.memory_space<vmem>> -> memref<1x8x1024xf32, #tpu.memory_space<vmem>>
    %dma_wait3A_407 = tpu.memref_squeeze %dma_wait3A_406 : memref<1x8x1024xf32, #tpu.memory_space<vmem>> -> memref<8x1024xf32, #tpu.memory_space<vmem>>
    tpu.wait_dma2 semaphore(%arg21 : memref<!tpu.dma_semaphore, #tpu.memory_space<semaphore_mem>>) src(%dma_wait3A_407 : memref<8x1024xf32, #tpu.memory_space<vmem>>) dst(%dma_wait3A_403 : memref<8x1024xf32, #tpu.memory_space<hbm>>)
    %add3A_408 = arith.constant 1016 : i32
    %add3A_409 = arith.addi %mul3A_2, %add3A_408 : i32
    %dma_wait3A_410 = arith.constant 7 : i32
    %dma_wait3A_411 = arith.constant 0 : i32
    %dma_wait3A_412 = arith.constant 0 : i32
    %dma_wait3A_413 = tpu.memref_slice %arg6[%dma_wait3A_410, %dma_wait3A_411, %dma_wait3A_412] : memref<8x8x1024xf32, #tpu.memory_space<vmem>> -> memref<1x8x1024xf32, #tpu.memory_space<vmem>>
    %dma_wait3A_414 = tpu.memref_squeeze %dma_wait3A_413 : memref<1x8x1024xf32, #tpu.memory_space<vmem>> -> memref<8x1024xf32, #tpu.memory_space<vmem>>
    %dma_wait3A_415 = arith.constant 0 : i32
    %dma_wait3A_416 = tpu.memref_slice %arg4[%add3A_409, %dma_wait3A_415] : memref<32768x1024xf32, #tpu.memory_space<hbm>> -> memref<8x1024xf32, #tpu.memory_space<hbm>>
    %dma_wait3A_417 = arith.constant 0 : i32
    %dma_wait3A_418 = tpu.memref_slice %arg4[%add3A_409, %dma_wait3A_417] : memref<32768x1024xf32, #tpu.memory_space<hbm>> -> memref<8x1024xf32, #tpu.memory_space<hbm>>
    %dma_wait3A_419 = arith.constant 0 : i32
    %dma_wait3A_420 = arith.constant 0 : i32
    %dma_wait3A_421 = tpu.memref_slice %arg6[%dma_wait3A_410, %dma_wait3A_419, %dma_wait3A_420] : memref<8x8x1024xf32, #tpu.memory_space<vmem>> -> memref<1x8x1024xf32, #tpu.memory_space<vmem>>
    %dma_wait3A_422 = tpu.memref_squeeze %dma_wait3A_421 : memref<1x8x1024xf32, #tpu.memory_space<vmem>> -> memref<8x1024xf32, #tpu.memory_space<vmem>>
    tpu.wait_dma2 semaphore(%arg22 : memref<!tpu.dma_semaphore, #tpu.memory_space<semaphore_mem>>) src(%dma_wait3A_422 : memref<8x1024xf32, #tpu.memory_space<vmem>>) dst(%dma_wait3A_418 : memref<8x1024xf32, #tpu.memory_space<hbm>>)
    return
  }
}

module attributes {stable_mosaic.version = 14 : i64} {
  func.func @_table_body(%arg0: i32, %arg1: memref<8x1024xf32, #tpu.memory_space<vmem>>, %arg2: memref<12x1024xf32, #tpu.memory_space<vmem>>, %arg3: memref<32x1024xf32, #tpu.memory_space<vmem>>, %arg4: memref<128x1024xf32, #tpu.memory_space<vmem>>, %arg5: memref<128x1024xf32, #tpu.memory_space<vmem>>) attributes {dimension_semantics = [#tpu.dimension_semantics<arbitrary>], iteration_bounds = array<i64: 16>, scalar_prefetch = 0 : i64, scratch_operands = 1 : i64, tpu.core_type = #tpu.core_type<tc>, window_params = [{pipeline_mode = #tpu.pipeline_mode<synchronous>, transform_indices = @transform_0, window_bounds = array<i64: 8, 1024>}, {pipeline_mode = #tpu.pipeline_mode<synchronous>, transform_indices = @transform_1, window_bounds = array<i64: 12, 1024>}, {pipeline_mode = #tpu.pipeline_mode<synchronous>, transform_indices = @transform_2, window_bounds = array<i64: 32, 1024>}, {transform_indices = @transform_3, window_bounds = array<i64: 128, 1024>}]} {
    %eq3A = arith.constant 0 : i32
    %eq3A_0 = arith.cmpi eq, %arg0, %eq3A : i32
    %convert_element_type3A = arith.extui %eq3A_0 : i1 to i32
    %cond3A = arith.constant 0 : i32
    %cond3A_1 = arith.cmpi ne, %convert_element_type3A, %cond3A : i32
    scf.if %cond3A_1 {
      %iota3A = tpu.iota {dimensions = array<i32: 1>} : vector<8x128xi32>
      %iota3A_6 = tpu.iota {dimensions = array<i32: 0>} : vector<8x128xi32>
      %ge3A = arith.constant 8 : i32
      %ge3A_7 = vector.broadcast %ge3A : i32 to vector<8x128xi32>
      %ge3A_8 = arith.cmpi sge, %iota3A, %ge3A_7 : vector<8x128xi32>
      %lt3A = arith.constant 104 : i32
      %lt3A_9 = vector.broadcast %lt3A : i32 to vector<8x128xi32>
      %lt3A_10 = arith.cmpi slt, %iota3A, %lt3A_9 : vector<8x128xi32>
      %and3A = arith.andi %ge3A_8, %lt3A_10 : vector<8x128xi1>
      %sub3A = arith.constant 8 : i32
      %sub3A_11 = vector.broadcast %sub3A : i32 to vector<8x128xi32>
      %sub3A_12 = arith.subi %iota3A, %sub3A_11 : vector<8x128xi32>
      %jit3A = arith.constant 12 : i32
      %div3A = vector.broadcast %jit3A : i32 to vector<8x128xi32>
      %div3A_13 = arith.divsi %sub3A_12, %div3A : vector<8x128xi32>
      %sign3A = arith.constant 0 : i32
      %sign3A_14 = vector.broadcast %sign3A : i32 to vector<8x128xi32>
      %sign3A_15 = arith.cmpi sgt, %sub3A_12, %sign3A_14 : vector<8x128xi32>
      %sign3A_16 = arith.extui %sign3A_15 : vector<8x128xi1> to vector<8x128xi32>
      %sign3A_17 = arith.constant 0 : i32
      %sign3A_18 = vector.broadcast %sign3A_17 : i32 to vector<8x128xi32>
      %sign3A_19 = arith.cmpi slt, %sub3A_12, %sign3A_18 : vector<8x128xi32>
      %sign3A_20 = arith.extui %sign3A_19 : vector<8x128xi1> to vector<8x128xi32>
      %sign3A_21 = arith.subi %sign3A_16, %sign3A_20 : vector<8x128xi32>
      %sign3A_22 = arith.constant 0 : i32
      %sign3A_23 = arith.cmpi sgt, %jit3A, %sign3A_22 : i32
      %sign3A_24 = arith.extui %sign3A_23 : i1 to i32
      %sign3A_25 = arith.constant 0 : i32
      %sign3A_26 = arith.cmpi slt, %jit3A, %sign3A_25 : i32
      %sign3A_27 = arith.extui %sign3A_26 : i1 to i32
      %sign3A_28 = arith.subi %sign3A_24, %sign3A_27 : i32
      %ne3A = vector.broadcast %sign3A_28 : i32 to vector<8x128xi32>
      %ne3A_29 = arith.cmpi ne, %sign3A_21, %ne3A : vector<8x128xi32>
      %rem3A = vector.broadcast %jit3A : i32 to vector<8x128xi32>
      %rem3A_30 = arith.remsi %sub3A_12, %rem3A : vector<8x128xi32>
      %ne3A_31 = arith.constant 0 : i32
      %ne3A_32 = vector.broadcast %ne3A_31 : i32 to vector<8x128xi32>
      %ne3A_33 = arith.cmpi ne, %rem3A_30, %ne3A_32 : vector<8x128xi32>
      %and3A_34 = arith.andi %ne3A_29, %ne3A_33 : vector<8x128xi1>
      %sub3A_35 = arith.constant 1 : i32
      %sub3A_36 = vector.broadcast %sub3A_35 : i32 to vector<8x128xi32>
      %sub3A_37 = arith.subi %div3A_13, %sub3A_36 : vector<8x128xi32>
      %select_n3A = arith.select %and3A_34, %sub3A_37, %div3A_13 : vector<8x128xi1>, vector<8x128xi32>
      %eq3A_38 = arith.cmpi eq, %select_n3A, %iota3A_6 : vector<8x128xi32>
      %and3A_39 = arith.andi %and3A, %eq3A_38 : vector<8x128xi1>
      %convert_element_type3A_40 = arith.extui %and3A_39 : vector<8x128xi1> to vector<8x128xi32>
      %convert_element_type3A_41 = arith.sitofp %convert_element_type3A_40 : vector<8x128xi32> to vector<8x128xf32>
      %iota3A_42 = tpu.iota {dimensions = array<i32: 1>} : vector<12x128xi32>
      %iota3A_43 = tpu.iota {dimensions = array<i32: 0>} : vector<12x128xi32>
      %ge3A_44 = arith.constant 8 : i32
      %ge3A_45 = vector.broadcast %ge3A_44 : i32 to vector<12x128xi32>
      %ge3A_46 = arith.cmpi sge, %iota3A_42, %ge3A_45 : vector<12x128xi32>
      %lt3A_47 = arith.constant 104 : i32
      %lt3A_48 = vector.broadcast %lt3A_47 : i32 to vector<12x128xi32>
      %lt3A_49 = arith.cmpi slt, %iota3A_42, %lt3A_48 : vector<12x128xi32>
      %and3A_50 = arith.andi %ge3A_46, %lt3A_49 : vector<12x128xi1>
      %sub3A_51 = arith.constant 8 : i32
      %sub3A_52 = vector.broadcast %sub3A_51 : i32 to vector<12x128xi32>
      %sub3A_53 = arith.subi %iota3A_42, %sub3A_52 : vector<12x128xi32>
      %jit3A_54 = arith.constant 12 : i32
      %eq3A_55 = arith.constant 0 : i32
      %eq3A_56 = arith.cmpi eq, %jit3A_54, %eq3A_55 : i32
      %jit3A_57 = arith.constant 1 : i32
      %select_n3A_58 = arith.select %eq3A_56, %jit3A_57, %jit3A_54 : i32
      %rem3A_59 = vector.broadcast %select_n3A_58 : i32 to vector<12x128xi32>
      %rem3A_60 = arith.remsi %sub3A_53, %rem3A_59 : vector<12x128xi32>
      %ne3A_61 = arith.constant 0 : i32
      %ne3A_62 = vector.broadcast %ne3A_61 : i32 to vector<12x128xi32>
      %ne3A_63 = arith.cmpi ne, %rem3A_60, %ne3A_62 : vector<12x128xi32>
      %lt3A_64 = arith.constant 0 : i32
      %lt3A_65 = vector.broadcast %lt3A_64 : i32 to vector<12x128xi32>
      %lt3A_66 = arith.cmpi slt, %rem3A_60, %lt3A_65 : vector<12x128xi32>
      %lt3A_67 = arith.constant 0 : i32
      %lt3A_68 = arith.cmpi slt, %select_n3A_58, %lt3A_67 : i32
      %ne3A_69 = vector.broadcast %lt3A_68 : i1 to vector<12x128xi1>
      %ne3A_70 = vector.broadcast %ne3A_69 : vector<12x128xi1> to vector<12x128xi1>
      %ne3A_71 = arith.xori %lt3A_66, %ne3A_70 : vector<12x128xi1>
      %and3A_72 = arith.andi %ne3A_71, %ne3A_63 : vector<12x128xi1>
      %add3A = vector.broadcast %select_n3A_58 : i32 to vector<12x128xi32>
      %add3A_73 = arith.addi %rem3A_60, %add3A : vector<12x128xi32>
      %select_n3A_74 = arith.select %and3A_72, %add3A_73, %rem3A_60 : vector<12x128xi1>, vector<12x128xi32>
      %eq3A_75 = arith.cmpi eq, %select_n3A_74, %iota3A_43 : vector<12x128xi32>
      %and3A_76 = arith.andi %and3A_50, %eq3A_75 : vector<12x128xi1>
      %convert_element_type3A_77 = arith.extui %and3A_76 : vector<12x128xi1> to vector<12x128xi32>
      %convert_element_type3A_78 = arith.sitofp %convert_element_type3A_77 : vector<12x128xi32> to vector<12x128xf32>
      %iota3A_79 = tpu.iota {dimensions = array<i32: 1>} : vector<32x128xi32>
      %iota3A_80 = tpu.iota {dimensions = array<i32: 0>} : vector<32x128xi32>
      %lt3A_81 = arith.constant 8 : i32
      %lt3A_82 = vector.broadcast %lt3A_81 : i32 to vector<32x128xi32>
      %lt3A_83 = arith.cmpi slt, %iota3A_79, %lt3A_82 : vector<32x128xi32>
      %eq3A_84 = arith.cmpi eq, %iota3A_79, %iota3A_80 : vector<32x128xi32>
      %and3A_85 = arith.andi %lt3A_83, %eq3A_84 : vector<32x128xi1>
      %ge3A_86 = arith.constant 104 : i32
      %ge3A_87 = vector.broadcast %ge3A_86 : i32 to vector<32x128xi32>
      %ge3A_88 = arith.cmpi sge, %iota3A_79, %ge3A_87 : vector<32x128xi32>
      %sub3A_89 = arith.constant 104 : i32
      %sub3A_90 = vector.broadcast %sub3A_89 : i32 to vector<32x128xi32>
      %sub3A_91 = arith.subi %iota3A_79, %sub3A_90 : vector<32x128xi32>
      %add3A_92 = arith.constant 8 : i32
      %add3A_93 = vector.broadcast %add3A_92 : i32 to vector<32x128xi32>
      %add3A_94 = arith.addi %sub3A_91, %add3A_93 : vector<32x128xi32>
      %eq3A_95 = arith.cmpi eq, %add3A_94, %iota3A_80 : vector<32x128xi32>
      %and3A_96 = arith.andi %ge3A_88, %eq3A_95 : vector<32x128xi1>
      %or3A = arith.ori %and3A_85, %and3A_96 : vector<32x128xi1>
      %convert_element_type3A_97 = arith.extui %or3A : vector<32x128xi1> to vector<32x128xi32>
      %convert_element_type3A_98 = arith.sitofp %convert_element_type3A_97 : vector<32x128xi32> to vector<32x128xf32>
      %get3A_99 = arith.constant 0 : index
      %get3A_100 = arith.constant 0 : index
      %get3A_101 = vector.load %arg1[%get3A_99, %get3A_100] : memref<8x1024xf32, #tpu.memory_space<vmem>>, vector<8x1024xf32>
      %dot_general3A = arith.constant dense<0.000000e+00> : vector<128x1024xf32>
      %dot_general3A_102 = tpu.matmul %convert_element_type3A_41, %get3A_101, %dot_general3A {dimension_numbers = #tpu.dot_dimension_numbers<[0], [0], [1], [1], [0, 1, 1, 1], [], []>, transpose_lhs_hint = false} : vector<8x128xf32>, vector<8x1024xf32>, vector<128x1024xf32> -> vector<128x1024xf32>
      %get3A_103 = arith.constant 0 : index
      %get3A_104 = arith.constant 0 : index
      %get3A_105 = vector.load %arg2[%get3A_103, %get3A_104] : memref<12x1024xf32, #tpu.memory_space<vmem>>, vector<12x1024xf32>
      %dot_general3A_106 = arith.constant dense<0.000000e+00> : vector<128x1024xf32>
      %dot_general3A_107 = tpu.matmul %convert_element_type3A_78, %get3A_105, %dot_general3A_106 {dimension_numbers = #tpu.dot_dimension_numbers<[0], [0], [1], [1], [0, 1, 1, 1], [], []>, transpose_lhs_hint = false} : vector<12x128xf32>, vector<12x1024xf32>, vector<128x1024xf32> -> vector<128x1024xf32>
      %add3A_108 = arith.addf %dot_general3A_102, %dot_general3A_107 : vector<128x1024xf32>
      %get3A_109 = arith.constant 0 : index
      %get3A_110 = arith.constant 0 : index
      %get3A_111 = vector.load %arg3[%get3A_109, %get3A_110] : memref<32x1024xf32, #tpu.memory_space<vmem>>, vector<32x1024xf32>
      %dot_general3A_112 = arith.constant dense<0.000000e+00> : vector<128x1024xf32>
      %dot_general3A_113 = tpu.matmul %convert_element_type3A_98, %get3A_111, %dot_general3A_112 {dimension_numbers = #tpu.dot_dimension_numbers<[0], [0], [1], [1], [0, 1, 1, 1], [], []>, transpose_lhs_hint = false} : vector<32x128xf32>, vector<32x1024xf32>, vector<128x1024xf32> -> vector<128x1024xf32>
      %add3A_114 = arith.addf %add3A_108, %dot_general3A_113 : vector<128x1024xf32>
      %swap3A_115 = arith.constant 0 : index
      %swap3A_116 = arith.constant 0 : index
      %swap3A_117 = vector.load %arg5[%swap3A_115, %swap3A_116] : memref<128x1024xf32, #tpu.memory_space<vmem>>, vector<128x1024xf32>
      tpu.vector_store %arg5[%swap3A_115, %swap3A_116], %add3A_114 {strides = array<i32>} : memref<128x1024xf32, #tpu.memory_space<vmem>>, vector<128x1024xf32>,
    } else {
    }
    %get3A = arith.constant 0 : index
    %get3A_2 = arith.constant 0 : index
    %get3A_3 = vector.load %arg5[%get3A, %get3A_2] : memref<128x1024xf32, #tpu.memory_space<vmem>>, vector<128x1024xf32>
    %swap3A = arith.constant 0 : index
    %swap3A_4 = arith.constant 0 : index
    %swap3A_5 = vector.load %arg4[%swap3A, %swap3A_4] : memref<128x1024xf32, #tpu.memory_space<vmem>>, vector<128x1024xf32>
    tpu.vector_store %arg4[%swap3A, %swap3A_4], %get3A_3 {strides = array<i32>} : memref<128x1024xf32, #tpu.memory_space<vmem>>, vector<128x1024xf32>,
    return
  }
  func.func @transform_0(%arg0: i32) -> (i32, i32) {
    %c0_i32 = arith.constant 0 : i32
    %c0_i32_0 = arith.constant 0 : i32
    %c0_i32_1 = arith.constant 0 : i32
    return %c0_i32, %c0_i32_0 : i32, i32
  }
  func.func @transform_1(%arg0: i32) -> (i32, i32) {
    %c0_i32 = arith.constant 0 : i32
    %c0_i32_0 = arith.constant 0 : i32
    %c0_i32_1 = arith.constant 0 : i32
    return %c0_i32, %c0_i32_0 : i32, i32
  }
  func.func @transform_2(%arg0: i32) -> (i32, i32) {
    %c0_i32 = arith.constant 0 : i32
    %c0_i32_0 = arith.constant 0 : i32
    %c0_i32_1 = arith.constant 0 : i32
    return %c0_i32, %c0_i32_0 : i32, i32
  }
  func.func @transform_3(%arg0: i32) -> (i32, i32) {
    %c0_i32 = arith.constant 0 : i32
    %c0_i32_0 = arith.constant 0 : i32
    return %arg0, %c0_i32 : i32, i32
  }
}

</mosaic_0001>

<sc_bundles>
// kernel: kernel.4.cloned.1.call-start
scs
__scs_entry_jumppad:
0x0: {  	(pc) =	sbr.rel $0x88, $3  }
0x1: {  	(tag) =	ssettag $0x0;
	lr =	simm.s32 $0x1  }
0x2: {  	[smem:$0x3F9D] =	sst lr;
	_ =	strace $0xD0000000  }
0x3: {  	_ = 	snop  }
0x4: {  	_ = 	snop  }
0x5: {  	_ = 	snop  }
0x6: {  	_ = 	snop  }
0x7: {  	_ = 	snop  }
__scs_overlays_trampoline_lowered:
0x8: {  	[smem:$0x3FAC] =	sst s0  }
0x9: {  	[smem:$0x3FAD] =	sst s1  }
0xa: {  	[smem:$0x3FAE] =	sst s2  }
0xb: {  	[smem:$0x3FAF] =	sst s3  }
0xc: {  	[smem:$0x3FB0] =	sst s4  }
0xd: {  	[smem:$0x3FB1] =	sst s5  }
0xe: {  	[smem:$0x3FB2] =	sst s6  }
0xf: {  	[smem:$0x3FB3] =	sst s7  }
0x10: {  	[smem:$0x3FB4] =	sst s8  }
0x11: {  	[smem:$0x3FB5] =	sst s9;
	s0 =	simm.s32 @!p0 $0x0  }
0x12: {  	s1 =	sld [smem:$0x3F9B];
	s0 =	simm.s32 @p0 $0x1  }
0x13: {  	[smem:$0x3FB6] =	sst s0;
	s0 =	simm.s32 @!p1 $0x0  }
0x14: {  	s2 =	sld [smem:$0x3F9A];
	s0 =	simm.s32 @p1 $0x1  }
0x15: {  	[smem:$0x3FB7] =	sst s0;
	s0 =	simm.s32 @!p2 $0x0  }
0x16: {  	s3 =	sld [smem:$0x3FDB];
	s0 =	simm.s32 @p2 $0x1  }
0x17: {  	s4 =	simm.s32 $0x1BF5;
	[smem:$0x3FB9] =	sst s0  }
0x18: {  	s0 =	sld [smem:$0x3F9C];
	_ =	swait.ge [sflag:s4], $0x0  }
0x19: {  	s7 =	sld [smem:$0x3F9D]  }
0x1a: {  	s8 =	sadd.s32 $0xFFFFE003, lr  }
0x1b: {  	s9 =	sadd.s32 $0xFFFFFEF7, lr;
	s5 =	simm.s32 $0xFFFFFFFF;
	p2 =	slt.u32 s8, $0xFFFFF086  }
0x1c: {  	p1 =	slt.u32 s9, $0xF7A;
	s5 =	simm.s32 @!p2 $0x0  }
0x1d: {  	s5 =	simm.s32 @p1 $0x1;
	p0 =	seq.s32 s7, s2  }
0x1e: {  	s7 =	smul.u32 @!p0 $0xF7A, s2;
	p2 =	seq.s32 @!p0 s5, $0x0  }
0x1f: {  	s9 =	smul.u32 $0xF7A, s1;
	s8 =	simm.s32 @!p0 $0x1BF5;
	p2 =	por !p2, p0  }
0x20: {  	[sflag:s8] =	ssyncset.s32 @!p0 $0xFFFFF086;
	s6 =	sadd.s32 @!p0 s3, s7;
	s7 =	simm.s32 @!p0 $0x108  }
0x21: {  	s3 =	sadd.s32 s3, s9;
	s6 =	sadd.s32 @!p0 $0x88, s6;
	s7 =	simm.s32 @p2 $0x1082  }
0x22: {  	[simem:s7], [sflag:s8] =	dma.local @!p0 [hbm:s6], $0xF7A  }
0x23: {  	s9 =	sor.u32 $0xD0000000, s2;
	s6 =	simm.s32 $0x108;
	_ =	swait.ge @!p0 [sflag:s8], $0x0  }
0x24: {  	s3 =	sadd.s32 $0x88, s3;
	s6 =	simm.s32 @!p1 $0x1082;
	[sflag:s4] =	ssyncset.s32 $0xFFFFF086  }
0x25: {  	[simem:s6], [sflag:s4] =	dma.local [hbm:s3], $0xF7A  }
0x26: {  	[smem:$0x3F9D] =	sst s1;
	(tag) =	ssettag s2;
	_ =	strace s9  }
0x27: {  	s1 =	sld [smem:$0x3FAD]  }
0x28: {  	s2 =	sld [smem:$0x3FAE]  }
0x29: {  	s4 =	sld [smem:$0x3FB0]  }
0x2a: {  	p0 =	seq.s32 s5, $0x0;
	s5 =	sld [smem:$0x3FB1]  }
0x2b: {  	s6 =	sld [smem:$0x3FB2]  }
0x2c: {  	s7 =	sld [smem:$0x3FB3]  }
0x2d: {  	s3 =	simm.s32 $0x108;
	s8 =	sld [smem:$0x3FB4]  }
0x2e: {  	s3 =	simm.s32 @!p0 $0x1082;
	s9 =	sld [smem:$0x3FB5]  }
0x2f: {  	lr =	sadd.s32 s0, s3;
	s0 =	sld [smem:$0x3FAC]  }
0x30: {  	s3 =	sld [smem:$0x3FAF]  }
0x31: {  	[smem:$0x3FB8] =	sst s10  }
0x32: {  	s10 =	sld [smem:$0x3FB6];
	_ =	sdelay $0x3  }
0x33: {  	p0 =	seq.s32 s10, $0x1;
	s10 =	sld [smem:$0x3FB8];
	_ =	sdelay $0x3  }
0x34: {  	[smem:$0x3FB8] =	sst s10  }
0x35: {  	s10 =	sld [smem:$0x3FB7];
	_ =	sdelay $0x3  }
0x36: {  	p1 =	seq.s32 s10, $0x1;
	s10 =	sld [smem:$0x3FB8];
	_ =	sdelay $0x3  }
0x37: {  	[smem:$0x3FB8] =	sst s10  }
0x38: {  	s10 =	sld [smem:$0x3FB9]  }
0x39: {  	_ = 	snop;
	(pc) =	sbr.ind lr, $3  }
0x3a: {  	_ = 	snop  }
0x3b: {  	_ = 	snop  }
0x3c: {  	p2 =	seq.s32 s10, $0x1;
	s10 =	sld [smem:$0x3FB8]  }
0x3d: {  	_ =	shalt  }
0x3e: {  	_ =	shalt  }
0x3f: {  	_ =	shalt  }
0x40: {  	_ =	shalt  }
0x41: {  	_ =	shalt  }
0x42: {  	_ =	shalt  }
0x43: {  	_ =	shalt  }
0x44: {  	_ =	shalt  }
0x45: {  	_ =	shalt  }
0x46: {  	_ =	shalt  }
0x47: {  	_ =	shalt  }
0x48: {  	_ =	shalt  }
0x49: {  	_ =	shalt  }
0x4a: {  	_ =	shalt  }
0x4b: {  	_ =	shalt  }
0x4c: {  	_ =	shalt  }
0x4d: {  	_ =	shalt  }
0x4e: {  	_ =	shalt  }
0x4f: {  	_ =	shalt  }
0x50: {  	_ =	shalt  }
0x51: {  	_ =	shalt  }
0x52: {  	_ =	shalt  }
0x53: {  	_ =	shalt  }
0x54: {  	_ =	shalt  }
0x55: {  	_ =	shalt  }
0x56: {  	_ =	shalt  }
0x57: {  	_ =	shalt  }
0x58: {  	_ =	shalt  }
0x59: {  	_ =	shalt  }
0x5a: {  	_ =	shalt  }
0x5b: {  	_ =	shalt  }
0x5c: {  	_ =	shalt  }
0x5d: {  	_ =	shalt  }
0x5e: {  	_ =	shalt  }
0x5f: {  	_ =	shalt  }
0x60: {  	_ =	shalt  }
0x61: {  	_ =	shalt  }
0x62: {  	_ =	shalt  }
0x63: {  	_ =	shalt  }
0x64: {  	_ =	shalt  }
0x65: {  	_ =	shalt  }
0x66: {  	_ =	shalt  }
0x67: {  	_ =	shalt  }
0x68: {  	_ =	shalt  }
0x69: {  	_ =	shalt  }
0x6a: {  	_ =	shalt  }
0x6b: {  	_ =	shalt  }
0x6c: {  	_ =	shalt  }
0x6d: {  	_ =	shalt  }
0x6e: {  	_ =	shalt  }
0x6f: {  	_ =	shalt  }
0x70: {  	_ =	shalt  }
0x71: {  	_ =	shalt  }
0x72: {  	_ =	shalt  }
0x73: {  	_ =	shalt  }
0x74: {  	_ =	shalt  }
0x75: {  	_ =	shalt  }
0x76: {  	_ =	shalt  }
0x77: {  	_ =	shalt  }
0x78: {  	_ =	shalt  }
0x79: {  	_ =	shalt  }
0x7a: {  	_ =	shalt  }
0x7b: {  	_ =	shalt  }
0x7c: {  	_ =	shalt  }
0x7d: {  	_ =	shalt  }
0x7e: {  	_ =	shalt  }
0x7f: {  	_ =	shalt  }
0x80: {  	_ =	shalt  }
0x81: {  	_ =	shalt  }
0x82: {  	_ =	shalt  }
0x83: {  	_ =	shalt  }
0x84: {  	_ =	shalt  }
0x85: {  	_ =	shalt  }
0x86: {  	_ =	shalt  }
0x87: {  	_ =	shalt  }
.Lfunc_end0:
.L_simem_size_0:
called_computation_lowered:
.L_overlay_start_0:
0x88: {  	s2 =	sld [smem:$0x3FD9]  }
0x89: {  	s3 =	sld [smem:$0x3FFE];
	_ =	sdelay $0x1  }
0x8a: {  	s1 =	srdreg.scid  }
0x8b: {  	s0 =	sand.u32 $0x1, s1  }
0x8c: {  	s17 =	sshll.u32 s0, $0xA;
	s2 =	sadd.s32 s3, s2  }
0x8d: {  	s2 =	sadd.s32 s2, s17  }
0x8e: {  	[smem:$0x3FC4] =	sst s2  }
0x8f: {  	_ = 	snop  }
0x90: {  	s2 =	sld [smem:$0x3FD0];
	(tm) =	ssettm $0x1  }
0x91: {  	s18 =	sld [smem:$0x3FFB];
	_ =	sdelay $0x3  }
0x92: {  	_ =	strace s18  }
0x93: {  	s3 =	sld [smem:$0x3FFC];
	_ =	sdelay $0x3  }
0x94: {  	_ =	strace s3  }
0x95: {  	s3 =	sld [smem:$0x3FFD];
	_ =	sdelay $0x3  }
0x96: {  	_ =	strace s3  }
0x97: {  	_ =	strace $0x8FFFFFFF  }
0x98: {  	s19 =	sld [smem:$0x3FDB];
	_ =	sdelay $0x1  }
0x99: {  	s4 =	simm.s32 $_scs_section_size  }
0x9a: {  	s5 =	simm.s32 $_size__tile_overlayer_lowered;
	s6 =	simm.s32 $_tile_overlayer_lowered  }
0x9b: {  	s22 =	simm.s32 $0x1BFF;
	s21 =	sshll.u32 s6, $0x1;
	s3 =	sadd.s32 s4, s19  }
0x9c: {  	s7 =	simm.s32 $0x0;
	s20 =	sshll.u32 s5, $0x1;
	s5 =	sadd.s32 s21, s3  }
0x9d: {  	[timem:s7], [sflag:s22] =	dma.local [hbm:s5], s20  }
0x9e: {  	_ =	swait.ge [sflag:s22], s20  }
0x9f: {  	s4 =	ssub.s32 $0x0, s20;
	[sflag:s22] =	ssyncset.done $0x0  }
0xa0: {  	[sflag:s22] =	ssyncadd.s32 s4;
	_ =	sdelay $0x1  }
0xa1: {  	s23 =	simm.s32 $0x1B8B  }
0xa2: {  	_ =	swait.ge [sflag:s23], $0x1  }
0xa3: {  	[sflag:s23] =	ssyncset.done $0x0  }
0xa4: {  	s25 =	simm.s32 $0x1B8E;
	s24 =	sld [smem:$0x3FFE];
	[sflag:s23] =	ssyncadd.s32 $0xFFFFFFFF  }
0xa5: {  	s26 =	simm.s32 $execute0_lowered;
	[smem:$0x3FD2] =	sst s25  }
0xa6: {  	s5 =	sshll.u32 s26, $0x1;
	_ =	strace $0x80000046;
	[dreg:$0x1] =	wrdreg $0xFFFFFFFF  }
0xa7: {  	s28 =	simm.s32 $_size_execute0_lowered;
	s3 =	sadd.s32 s3, s5;
	[dreg:$0x0] =	wrdreg $0x0  }
0xa8: {  	s5 =	sshll.u32 s28, $0x1;
	[dreg:$0x2] =	wrdreg s3  }
0xa9: {  	[dreg:$0x3] =	wrdreg s5  }
0xaa: {  	[dreg:$0x4] =	wrdreg $0xC0  }
0xab: {  	_ =	task [dreg:s7], $0x5FFFF  }
0xac: {  	[dreg:$0x1] =	wrdreg $0xFFFFFFFF  }
0xad: {  	[dreg:$0x0] =	wrdreg $0x60  }
0xae: {  	[dreg:$0x2] =	wrdreg s24  }
0xaf: {  	[dreg:$0x3] =	wrdreg s2  }
0xb0: {  	[dreg:$0x4] =	wrdreg $0x9  }
0xb1: {  	_ =	task.clear_ibuf [dreg:s7], $0x5FFFF;
	_ =	strace $0x90000046  }
0xb2: {  	s29 =	simm.s32 $0x9;
	_ =	strace $0x80000048  }
0xb3: {  	_ =	swait.ge [sflag:s29], $0x1  }
0xb4: {  	[sflag:s29] =	ssyncadd.s32 $0xFFFFFFFF  }
0xb5: {  	_ =	strace $0x90000048  }
0xb6: {  	_ =	sfence  }
0xb7: {  	s30 =	sld [smem:$0x0];
	_ =	sdelay $0x2  }
0xb8: {  	s31 =	sshll.u32 s1, $0xD;
	s1 =	sshrl.u32 s1, $0x2  }
0xb9: {  	s3 =	sand.u32 $0x4000, s31;
	s1 =	sadd.s32 s1, s30  }
0xba: {  	s0 =	sor.u32 s3, s0;
	s1 =	sshll.u32 s1, $0x11  }
0xbb: {  	s0 =	sor.u32 s1, s0  }
0xbc: {  	s0 =	sadd.s32 $0x8F2B, s0  }
0xbd: {  	[sflag:s0] =	ssyncadd.remote.s32 $0x1  }
0xbe: {  	_ =	sfence.sel $0xFFFF  }
0xbf: {  	[dreg:$0x0] =	wrdreg $0xFFFFFFFF;
	(pc) =	sbr.abs _section_cstart, $3  }
0xc0: {  	[dreg:$0x1] =	wrdreg $0xFFFFFFFF  }
0xc1: {  	_ =	task.clear_ibuf [dreg:s7], $0x2FFFF;
	_ =	strace $0x9FFFFFFF  }
0xc2: {  	(tm) =	ssettm $0x7FFFFFFF  }
0xc3: {  	_ =	shalt  }
tec
execute0_lowered:
.L_overlay_start_1:
0x0: {  	(tag) =	ssettag $0x1  }
0x1: {  	s0 =	rddreg [dreg:$0x0]  }
0x2: {  	s1 =	srdreg.scid;
	s10 =	stileid.u32  }
0x3: {  	s4 =	rddreg [dreg:$0x1];
	s2 =	simm.s32 $0x0;
	s13 =	simm.s32 $0x1C00  }
0x4: {  	s31 =	simm.s32 $0x3C00;
	s29 =	simm.s32 $0xF400;
	s30 =	simm.s32 $0x2  }
0x5: {  	s11 =	simm.s32 $0xA;
	s12 =	simm.s32 $0x6;
	s14 =	simm.s32 $0xB  }
0x6: {  	s1 =	sand.u32 $0x1, s1;
	s3 =	sshll.u32 s10, $0x1;
	[smem:$0x7FF] =	sst s2  }
0x7: {  	s24 =	sshll.u32 s10, $0x12;
	s6 =	sor.u32 s1, s3;
	s7 =	ssub.s32 $0x2, s1  }
0x8: {  	_ =	strace $0x80000047;
	s3 =	sadd.s32 $0x1C00, s0;
	s1 =	sshll.u32 s1, $0x11  }
0x9: {  	s5 =	sshll.u32 s6, $0x7;
	s9 =	sshrl.u32 s7, $0x1;
	s18 =	sshll.u32 s6, $0x11  }
0xa: {  	s6 =	sadd.s32 $0x1E00, s0;
	s8 =	sadd.s32 s5, s0;
	s9 =	ssub.s32 s7, s9  }
0xb: {  	s16 =	sand.u32 $0x780, s5;
	s5 =	sadd.s32 $0x1D00, s0;
	s17 =	sadd.s32 $0xC00, s8  }
0xc: {  	s7 =	sadd.s32 $0x1F00, s0;
	s8 =	sadd.s32 s4, s18;
	[dreg:$0x4] =	wrdreg s17  }
0xd: {  	s0 =	sadd.s32 s24, s4;
	s28 =	smax.u32 s9, $0x1;
	[dreg:$0x5] =	wrdreg s8  }
0xe: {  	s15 =	simm.s32 $0x7;
	s0 =	sadd.s32 s1, s0;
	[dreg:$0xd] =	wrdreg s28  }
0xf: {  	s10 =	simm.s32 $0x5;
	s19 =	sadd.s32 $0x400, s8;
	[dreg:$0x3] =	wrdreg s0  }
0x10: {  	s9 =	simm.s32 $0x1400;
	s20 =	sadd.s32 $0x800, s8;
	[dreg:$0x6] =	wrdreg s19  }
0x11: {  	s1 =	simm.s32 $0xFC00;
	s21 =	sadd.s32 $0xC00, s8;
	[dreg:$0x7] =	wrdreg s20  }
0x12: {  	v0 =	vmov s16;
	s16 =	simm.s32 $0xC;
	s22 =	sadd.s32 $0x1F000, s8;
	[dreg:$0x8] =	wrdreg s21  }
0x13: {  	s23 =	sadd.s32 $0x1F400, s8;
	s25 =	sadd.s32 $0x1F800, s8;
	[dreg:$0x9] =	wrdreg s22  }
0x14: {  	s26 =	sadd.s32 $0x1FC00, s8;
	s8 =	simm.s32 $0x2C00;
	[dreg:$0xa] =	wrdreg s23  }
0x15: {  	v1 =	vlaneseq.u32;
	s0 =	simm.s32 $0x0;
	s17 =	simm.s32 $0x8;
	[dreg:$0xb] =	wrdreg s25  }
0x16: {  	v2 =	vshrl.u32 v1, $0x3;
	[dreg:$0xc] =	wrdreg s26;
	s22 =	simm.s32 $0x400;
	s25 =	simm.s32 $0xC00  }
0x17: {  	vm0 =	vmmov $0xffff;
	v1 =	vand.u32 $0x7, v1;
	v2 =	vmul.u32 $0x8, v2;
	s26 =	simm.s32 $0x2400;
	s21 =	simm.s32 $0x3400;
	s23 =	simm.s32 $0x2400  }
.LBB2_1:
0x18: {  	[dreg:$0xe] =	wrdreg s0  }
0x19: {  	s18 =	rddreg [dreg:$0x4];
	s28 =	simm.s32 $0x11  }
0x1a: {  	[tilespmem:s2], [sflag:$0x11] =	stream.linear.gather [hbm4b:s18+s2], $0x400, $0x38;
	[tilespmem:$0x10400] =	vst v63  }
0x1b: {  	_ =	swait.ge [sflag:s28], $0x400  }
0x1c: {  	[sflag:s28] =	ssyncset.done $0x0  }
0x1d: {  	s24 =	simm.s32 $0x40;
	s18 =	simm.s32 $0x0;
	[sflag:s28] =	ssyncadd.s32 $0xFFFFFC00  }
.LBB2_2:
0x1e: {  	p0 =	sne.s32 s24, $0xFC0;
	v3 =	vld [tilespmem:s18+$0x0];
	_ =	sdelay $0x1  }
.Ltmp0:
0x1f: {  	(pc) =	sbr.rel @p0 .LBB2_2-.Ltmp0, $3  }
0x20: {  	_ =	sdelay $0x1  }
0x21: {  	v3 =	vadd.s32 v0, v3  }
0x22: {  	[tilespmem:s18+$0x0] =	vst v3;
	s18 =	sshra.s32 s24, $0x2;
	s24 =	sadd.s32 $0x40, s24  }
0x23: {  	v3 =	vld [tilespmem:s18+$0x0];
	_ =	sdelay $0x4  }
0x24: {  	v3 =	vadd.s32 v0, v3  }
0x25: {  	[tilespmem:s18+$0x0] =	vst v3  }
0x26: {  	v3 =	vld.msk [tilespmem:$0x0], $0xff;
	_ =	sdelay $0x4  }
0x27: {  	v4 =	vshll.u32 v3, $0x3  }
0x28: {  	v3 =	vand.u32 $0x7, v3;
	v4 =	vand.u32 $0xFFFFFFC0, v4  }
0x29: {  	v3 =	vor.u32 v3, v4  }
0x2a: {  	v3 =	vperm.xlane v3, v1;
	_ =	sdelay $0x1  }
0x2b: {  	v3 =	vadd.s32 v2, v3;
	_ =	sdelay $0x3  }
0x2c: {  	s24 =	simm.s32 $0x0  }
0x2d: {  	[tilespmem:s22], [sflag:$0x1] =	stream.indirect_vreg.gather [hbm4b:s3+s24], $0x80, v3, vm0, $0xb8;
	[tilespmem:$0x10400] =	vst v63  }
0x2e: {  	_ = 	snop  }
0x2f: {  	[tilespmem:s25], [sflag:$0x1] =	stream.indirect_vreg.gather [hbm4b:s5+s24], $0x80, v3, vm0, $0xb8;
	[tilespmem:$0x10400] =	vst v63  }
0x30: {  	_ = 	snop  }
0x31: {  	[tilespmem:s9], [sflag:$0x1] =	stream.indirect_vreg.gather [hbm4b:s6+s24], $0x80, v3, vm0, $0xb8;
	[tilespmem:$0x10400] =	vst v63  }
0x32: {  	_ = 	snop  }
0x33: {  	[tilespmem:s13], [sflag:$0x1] =	stream.indirect_vreg.gather [hbm4b:s7+s24], $0x80, v3, vm0, $0xb8;
	[tilespmem:$0x10400] =	vst v63  }
0x34: {  	v3 =	vld.msk [tilespmem:$0x8], $0xff;
	_ =	sdelay $0x4  }
0x35: {  	v57 =	vshll.u32 v3, $0x3  }
0x36: {  	v3 =	vand.u32 $0x7, v3;
	v4 =	vand.u32 $0xFFFFFFC0, v57  }
0x37: {  	v3 =	vor.u32 v3, v4  }
0x38: {  	v3 =	vperm.xlane v3, v1;
	_ =	sdelay $0x1  }
0x39: {  	v3 =	vadd.s32 v2, v3;
	_ =	sdelay $0x4  }
0x3a: {  	[tilespmem:s26], [sflag:$0x2] =	stream.indirect_vreg.gather [hbm4b:s3+s24], $0x80, v3, vm0, $0xb8;
	[tilespmem:$0x10400] =	vst v63  }
0x3b: {  	_ = 	snop  }
0x3c: {  	[tilespmem:s8], [sflag:$0x2] =	stream.indirect_vreg.gather [hbm4b:s5+s24], $0x80, v3, vm0, $0xb8;
	[tilespmem:$0x10400] =	vst v63  }
0x3d: {  	_ = 	snop  }
0x3e: {  	[tilespmem:s21], [sflag:$0x2] =	stream.indirect_vreg.gather [hbm4b:s6+s24], $0x80, v3, vm0, $0xb8;
	[tilespmem:$0x10400] =	vst v63  }
0x3f: {  	_ = 	snop  }
0x40: {  	[tilespmem:s31], [sflag:$0x2] =	stream.indirect_vreg.gather [hbm4b:s7+s24], $0x80, v3, vm0, $0xb8;
	[tilespmem:$0x10400] =	vst v63  }
0x41: {  	v3 =	vld.msk [tilespmem:$0x10], $0xff;
	_ =	sdelay $0x4  }
0x42: {  	v58 =	vshll.u32 v3, $0x3  }
0x43: {  	v3 =	vand.u32 $0x7, v3;
	v4 =	vand.u32 $0xFFFFFFC0, v58  }
0x44: {  	v3 =	vor.u32 v3, v4  }
0x45: {  	v3 =	vperm.xlane v3, v1;
	_ =	sdelay $0x1  }
0x46: {  	v3 =	vadd.s32 v2, v3;
	_ =	sdelay $0x3  }
0x47: {  	s0 =	simm.s32 $0x4400  }
0x48: {  	[tilespmem:s0], [sflag:$0x3] =	stream.indirect_vreg.gather [hbm4b:s3+s24], $0x80, v3, vm0, $0xb8;
	[tilespmem:$0x10400] =	vst v63  }
0x49: {  	s4 =	simm.s32 $0x4C00  }
0x4a: {  	[tilespmem:s4], [sflag:$0x3] =	stream.indirect_vreg.gather [hbm4b:s5+s24], $0x80, v3, vm0, $0xb8;
	[tilespmem:$0x10400] =	vst v63  }
0x4b: {  	s20 =	simm.s32 $0x5400  }
0x4c: {  	[tilespmem:s20], [sflag:$0x3] =	stream.indirect_vreg.gather [hbm4b:s6+s24], $0x80, v3, vm0, $0xb8;
	[tilespmem:$0x10400] =	vst v63  }
0x4d: {  	s21 =	simm.s32 $0x5C00  }
0x4e: {  	[tilespmem:s21], [sflag:$0x3] =	stream.indirect_vreg.gather [hbm4b:s7+s24], $0x80, v3, vm0, $0xb8;
	[tilespmem:$0x10400] =	vst v63  }
0x4f: {  	v3 =	vld.msk [tilespmem:$0x18], $0xff;
	_ =	sdelay $0x4  }
0x50: {  	v59 =	vshll.u32 v3, $0x3  }
0x51: {  	v3 =	vand.u32 $0x7, v3;
	v4 =	vand.u32 $0xFFFFFFC0, v59  }
0x52: {  	v3 =	vor.u32 v3, v4  }
0x53: {  	v3 =	vperm.xlane v3, v1;
	_ =	sdelay $0x1  }
0x54: {  	v3 =	vadd.s32 v2, v3;
	_ =	sdelay $0x3  }
0x55: {  	s4 =	simm.s32 $0x6400  }
0x56: {  	[tilespmem:s4], [sflag:$0x4] =	stream.indirect_vreg.gather [hbm4b:s3+s24], $0x80, v3, vm0, $0xb8;
	[tilespmem:$0x10400] =	vst v63  }
0x57: {  	s25 =	simm.s32 $0x6C00  }
0x58: {  	[tilespmem:s25], [sflag:$0x4] =	stream.indirect_vreg.gather [hbm4b:s5+s24], $0x80, v3, vm0, $0xb8;
	[tilespmem:$0x10400] =	vst v63  }
0x59: {  	s28 =	simm.s32 $0x7400  }
0x5a: {  	[tilespmem:s28], [sflag:$0x4] =	stream.indirect_vreg.gather [hbm4b:s6+s24], $0x80, v3, vm0, $0xb8;
	[tilespmem:$0x10400] =	vst v63  }
0x5b: {  	s31 =	simm.s32 $0x7C00  }
0x5c: {  	[tilespmem:s31], [sflag:$0x4] =	stream.indirect_vreg.gather [hbm4b:s7+s24], $0x80, v3, vm0, $0xb8;
	[tilespmem:$0x10400] =	vst v63  }
0x5d: {  	v3 =	vld.msk [tilespmem:$0x20], $0xff;
	_ =	sdelay $0x4  }
0x5e: {  	v60 =	vshll.u32 v3, $0x3  }
0x5f: {  	v3 =	vand.u32 $0x7, v3;
	v4 =	vand.u32 $0xFFFFFFC0, v60  }
0x60: {  	v3 =	vor.u32 v3, v4  }
0x61: {  	v3 =	vperm.xlane v3, v1;
	_ =	sdelay $0x1  }
0x62: {  	v3 =	vadd.s32 v2, v3;
	_ =	sdelay $0x3  }
0x63: {  	s9 =	simm.s32 $0x8400  }
0x64: {  	[tilespmem:s9], [sflag:$0x5] =	stream.indirect_vreg.gather [hbm4b:s3+s24], $0x80, v3, vm0, $0xb8;
	[tilespmem:$0x10400] =	vst v63  }
0x65: {  	s13 =	simm.s32 $0x8C00  }
0x66: {  	[tilespmem:s13], [sflag:$0x5] =	stream.indirect_vreg.gather [hbm4b:s5+s24], $0x80, v3, vm0, $0xb8;
	[tilespmem:$0x10400] =	vst v63  }
0x67: {  	s18 =	simm.s32 $0x9400  }
0x68: {  	[tilespmem:s18], [sflag:$0x5] =	stream.indirect_vreg.gather [hbm4b:s6+s24], $0x80, v3, vm0, $0xb8;
	[tilespmem:$0x10400] =	vst v63  }
0x69: {  	s19 =	simm.s32 $0x9C00  }
0x6a: {  	[tilespmem:s19], [sflag:$0x5] =	stream.indirect_vreg.gather [hbm4b:s7+s24], $0x80, v3, vm0, $0xb8;
	[tilespmem:$0x10400] =	vst v63  }
0x6b: {  	v3 =	vld.msk [tilespmem:$0x28], $0xff;
	_ =	sdelay $0x4  }
0x6c: {  	v61 =	vshll.u32 v3, $0x3  }
0x6d: {  	v3 =	vand.u32 $0x7, v3;
	v4 =	vand.u32 $0xFFFFFFC0, v61  }
0x6e: {  	v3 =	vor.u32 v3, v4  }
0x6f: {  	v3 =	vperm.xlane v3, v1;
	_ =	sdelay $0x1  }
0x70: {  	v3 =	vadd.s32 v2, v3;
	_ =	sdelay $0x3  }
0x71: {  	s20 =	simm.s32 $0xA400  }
0x72: {  	[tilespmem:s20], [sflag:$0x6] =	stream.indirect_vreg.gather [hbm4b:s3+s24], $0x80, v3, vm0, $0xb8;
	[tilespmem:$0x10400] =	vst v63  }
0x73: {  	s21 =	simm.s32 $0xAC00  }
0x74: {  	[tilespmem:s21], [sflag:$0x6] =	stream.indirect_vreg.gather [hbm4b:s5+s24], $0x80, v3, vm0, $0xb8;
	[tilespmem:$0x10400] =	vst v63  }
0x75: {  	s25 =	simm.s32 $0xB400  }
0x76: {  	[tilespmem:s25], [sflag:$0x6] =	stream.indirect_vreg.gather [hbm4b:s6+s24], $0x80, v3, vm0, $0xb8;
	[tilespmem:$0x10400] =	vst v63  }
0x77: {  	s28 =	simm.s32 $0xBC00  }
0x78: {  	[tilespmem:s28], [sflag:$0x6] =	stream.indirect_vreg.gather [hbm4b:s7+s24], $0x80, v3, vm0, $0xb8;
	[tilespmem:$0x10400] =	vst v63  }
0x79: {  	v3 =	vld.msk [tilespmem:$0x30], $0xff;
	_ =	sdelay $0x4  }
0x7a: {  	v62 =	vshll.u32 v3, $0x3  }
0x7b: {  	v3 =	vand.u32 $0x7, v3;
	v4 =	vand.u32 $0xFFFFFFC0, v62  }
0x7c: {  	v3 =	vor.u32 v3, v4  }
0x7d: {  	v3 =	vperm.xlane v3, v1;
	_ =	sdelay $0x1  }
0x7e: {  	v3 =	vadd.s32 v2, v3;
	_ =	sdelay $0x3  }
0x7f: {  	s31 =	simm.s32 $0xC400  }
0x80: {  	[tilespmem:s31], [sflag:$0x7] =	stream.indirect_vreg.gather [hbm4b:s3+s24], $0x80, v3, vm0, $0xb8;
	[tilespmem:$0x10400] =	vst v63  }
0x81: {  	s9 =	simm.s32 $0xCC00  }
0x82: {  	[tilespmem:s9], [sflag:$0x7] =	stream.indirect_vreg.gather [hbm4b:s5+s24], $0x80, v3, vm0, $0xb8;
	[tilespmem:$0x10400] =	vst v63  }
0x83: {  	s13 =	simm.s32 $0xD400  }
0x84: {  	[tilespmem:s13], [sflag:$0x7] =	stream.indirect_vreg.gather [hbm4b:s6+s24], $0x80, v3, vm0, $0xb8;
	[tilespmem:$0x10400] =	vst v63  }
0x85: {  	s18 =	simm.s32 $0xDC00  }
0x86: {  	[tilespmem:s18], [sflag:$0x7] =	stream.indirect_vreg.gather [hbm4b:s7+s24], $0x80, v3, vm0, $0xb8;
	[tilespmem:$0x10400] =	vst v63  }
0x87: {  	v3 =	vld.msk [tilespmem:$0x38], $0xff;
	_ =	sdelay $0x4  }
0x88: {  	v63 =	vshll.u32 v3, $0x3  }
0x89: {  	v3 =	vand.u32 $0x7, v3;
	v4 =	vand.u32 $0xFFFFFFC0, v63  }
0x8a: {  	v3 =	vor.u32 v3, v4  }
0x8b: {  	v3 =	vperm.xlane v3, v1;
	_ =	sdelay $0x1  }
0x8c: {  	v3 =	vadd.s32 v2, v3;
	_ =	sdelay $0x3  }
0x8d: {  	s19 =	simm.s32 $0xE400  }
0x8e: {  	[tilespmem:s19], [sflag:$0x8] =	stream.indirect_vreg.gather [hbm4b:s3+s24], $0x80, v3, vm0, $0xb8;
	[tilespmem:$0x10400] =	vst v63  }
0x8f: {  	s20 =	simm.s32 $0xEC00  }
0x90: {  	[tilespmem:s20], [sflag:$0x8] =	stream.indirect_vreg.gather [hbm4b:s5+s24], $0x80, v3, vm0, $0xb8;
	[tilespmem:$0x10400] =	vst v63  }
0x91: {  	_ = 	snop  }
0x92: {  	[tilespmem:s29], [sflag:$0x8] =	stream.indirect_vreg.gather [hbm4b:s6+s24], $0x80, v3, vm0, $0xb8;
	[tilespmem:$0x10400] =	vst v63  }
0x93: {  	s29 =	simm.s32 $0x1  }
0x94: {  	[tilespmem:s1], [sflag:$0x8] =	stream.indirect_vreg.gather [hbm4b:s7+s24], $0x80, v3, vm0, $0xb8;
	[tilespmem:$0x10400] =	vst v63  }
0x95: {  	_ =	swait.ge [sflag:s29], $0x2000  }
0x96: {  	[sflag:s29] =	ssyncset.done $0x0  }
0x97: {  	s21 =	rddreg [dreg:$0x5];
	[sflag:s29] =	ssyncadd.s32 $0xFFFFE000  }
0x98: {  	[hbm4b:s21+s24] =	stream.linear.scatter [tilespmem:s22], [sflag:$0x9], $0x2000, $0x38;
	[tilespmem:$0x10400] =	vst v63  }
0x99: {  	_ =	swait.ge [sflag:s30], $0x2000  }
0x9a: {  	[sflag:s30] =	ssyncset.done $0x0  }
0x9b: {  	s1 =	simm.s32 $0x3;
	s25 =	rddreg [dreg:$0x6];
	[sflag:s30] =	ssyncadd.s32 $0xFFFFE000  }
0x9c: {  	[hbm4b:s25+s24] =	stream.linear.scatter [tilespmem:s26], [sflag:$0xA], $0x2000, $0x38;
	[tilespmem:$0x10400] =	vst v63  }
0x9d: {  	_ =	swait.ge [sflag:s1], $0x2000  }
0x9e: {  	[sflag:s1] =	ssyncset.done $0x0  }
0x9f: {  	s28 =	rddreg [dreg:$0x7];
	[sflag:s1] =	ssyncadd.s32 $0xFFFFE000  }
0xa0: {  	[hbm4b:s28+s24] =	stream.linear.scatter [tilespmem:s0], [sflag:$0xB], $0x2000, $0x38;
	[tilespmem:$0x10400] =	vst v63  }
0xa1: {  	s0 =	simm.s32 $0x4  }
0xa2: {  	_ =	swait.ge [sflag:s0], $0x2000  }
0xa3: {  	[sflag:s0] =	ssyncset.done $0x0  }
0xa4: {  	s31 =	rddreg [dreg:$0x8];
	[sflag:s0] =	ssyncadd.s32 $0xFFFFE000  }
0xa5: {  	[hbm4b:s31+s24] =	stream.linear.scatter [tilespmem:s4], [sflag:$0xC], $0x2000, $0x38;
	[tilespmem:$0x10400] =	vst v63  }
0xa6: {  	s9 =	simm.s32 $0xD;
	s25 =	simm.s32 $0x78;
	s4 =	simm.s32 $0x9  }
.LBB2_4:
0xa7: {  	_ =	swait.ge [sflag:s4], $0x2000  }
0xa8: {  	[sflag:s4] =	ssyncset.done $0x0  }
0xa9: {  	[sflag:s4] =	ssyncadd.s32 $0xFFFFE000  }
0xaa: {  	v3 =	vld.msk [tilespmem:s25+$0xFFFFFFC8], $0xff;
	_ =	sdelay $0x4  }
0xab: {  	v4 =	vshll.u32 v3, $0x3  }
0xac: {  	v3 =	vand.u32 $0x7, v3;
	v4 =	vand.u32 $0xFFFFFFC0, v4  }
0xad: {  	v3 =	vor.u32 v3, v4  }
0xae: {  	v3 =	vperm.xlane v3, v1;
	_ =	sdelay $0x1  }
0xaf: {  	v3 =	vadd.s32 v2, v3;
	_ =	sdelay $0x3  }
0xb0: {  	s20 =	simm.s32 $0x400  }
0xb1: {  	[tilespmem:s20], [sflag:$0x1] =	stream.indirect_vreg.gather [hbm4b:s3+s2], $0x80, v3, vm0, $0xb8;
	[tilespmem:$0x10400] =	vst v63  }
0xb2: {  	s8 =	simm.s32 $0xC00  }
0xb3: {  	[tilespmem:s8], [sflag:$0x1] =	stream.indirect_vreg.gather [hbm4b:s5+s2], $0x80, v3, vm0, $0xb8;
	[tilespmem:$0x10400] =	vst v63  }
0xb4: {  	s21 =	simm.s32 $0x1400  }
0xb5: {  	[tilespmem:s21], [sflag:$0x1] =	stream.indirect_vreg.gather [hbm4b:s6+s2], $0x80, v3, vm0, $0xb8;
	[tilespmem:$0x10400] =	vst v63  }
0xb6: {  	s22 =	simm.s32 $0x1C00  }
0xb7: {  	[tilespmem:s22], [sflag:$0x1] =	stream.indirect_vreg.gather [hbm4b:s7+s2], $0x80, v3, vm0, $0xb8;
	[tilespmem:$0x10400] =	vst v63  }
0xb8: {  	_ =	swait.ge [sflag:s10], $0x2000  }
0xb9: {  	s18 =	rddreg [dreg:$0x3]  }
0xba: {  	[sflag:s10] =	ssyncset.done $0x0;
	s18 =	sadd.s32 s24, s18  }
0xbb: {  	s31 =	simm.s32 $0x8400;
	[sflag:s10] =	ssyncadd.s32 $0xFFFFE000;
	s22 =	sadd.s32 $0x1000, s18  }
0xbc: {  	[hbm4b:s22+s2] =	stream.linear.scatter [tilespmem:s31], [sflag:$0xD], $0x2000, $0x38;
	[tilespmem:$0x10400] =	vst v63  }
0xbd: {  	_ =	swait.ge [sflag:s11], $0x2000  }
0xbe: {  	[sflag:s11] =	ssyncset.done $0x0  }
0xbf: {  	[sflag:s11] =	ssyncadd.s32 $0xFFFFE000  }
0xc0: {  	v3 =	vld.msk [tilespmem:s25+$0xFFFFFFD0], $0xff;
	_ =	sdelay $0x4  }
0xc1: {  	v57 =	vshll.u32 v3, $0x3  }
0xc2: {  	v3 =	vand.u32 $0x7, v3;
	v4 =	vand.u32 $0xFFFFFFC0, v57  }
0xc3: {  	v3 =	vor.u32 v3, v4  }
0xc4: {  	v3 =	vperm.xlane v3, v1;
	_ =	sdelay $0x1  }
0xc5: {  	v3 =	vadd.s32 v2, v3;
	_ =	sdelay $0x4  }
0xc6: {  	[tilespmem:s23], [sflag:$0x2] =	stream.indirect_vreg.gather [hbm4b:s3+s2], $0x80, v3, vm0, $0xb8;
	[tilespmem:$0x10400] =	vst v63  }
0xc7: {  	s26 =	simm.s32 $0x2C00  }
0xc8: {  	[tilespmem:s26], [sflag:$0x2] =	stream.indirect_vreg.gather [hbm4b:s5+s2], $0x80, v3, vm0, $0xb8;
	[tilespmem:$0x10400] =	vst v63  }
0xc9: {  	s13 =	simm.s32 $0x3400  }
0xca: {  	[tilespmem:s13], [sflag:$0x2] =	stream.indirect_vreg.gather [hbm4b:s6+s2], $0x80, v3, vm0, $0xb8;
	[tilespmem:$0x10400] =	vst v63  }
0xcb: {  	s19 =	simm.s32 $0x3C00  }
0xcc: {  	[tilespmem:s19], [sflag:$0x2] =	stream.indirect_vreg.gather [hbm4b:s7+s2], $0x80, v3, vm0, $0xb8;
	[tilespmem:$0x10400] =	vst v63  }
0xcd: {  	_ =	swait.ge [sflag:s12], $0x2000  }
0xce: {  	[sflag:s12] =	ssyncset.done $0x0  }
0xcf: {  	s28 =	simm.s32 $0xA400;
	s21 =	sadd.s32 $0x1400, s18;
	[sflag:s12] =	ssyncadd.s32 $0xFFFFE000  }
0xd0: {  	[hbm4b:s21+s2] =	stream.linear.scatter [tilespmem:s28], [sflag:$0xE], $0x2000, $0x38;
	[tilespmem:$0x10400] =	vst v63  }
0xd1: {  	_ =	swait.ge [sflag:s14], $0x2000  }
0xd2: {  	[sflag:s14] =	ssyncset.done $0x0  }
0xd3: {  	[sflag:s14] =	ssyncadd.s32 $0xFFFFE000  }
0xd4: {  	v3 =	vld.msk [tilespmem:s25+$0xFFFFFFD8], $0xff;
	_ =	sdelay $0x4  }
0xd5: {  	v58 =	vshll.u32 v3, $0x3  }
0xd6: {  	v3 =	vand.u32 $0x7, v3;
	v4 =	vand.u32 $0xFFFFFFC0, v58  }
0xd7: {  	v3 =	vor.u32 v3, v4  }
0xd8: {  	v3 =	vperm.xlane v3, v1;
	_ =	sdelay $0x1  }
0xd9: {  	v3 =	vadd.s32 v2, v3;
	_ =	sdelay $0x3  }
0xda: {  	s19 =	simm.s32 $0x4400  }
0xdb: {  	[tilespmem:s19], [sflag:$0x3] =	stream.indirect_vreg.gather [hbm4b:s3+s2], $0x80, v3, vm0, $0xb8;
	[tilespmem:$0x10400] =	vst v63  }
0xdc: {  	s26 =	simm.s32 $0x4C00  }
0xdd: {  	[tilespmem:s26], [sflag:$0x3] =	stream.indirect_vreg.gather [hbm4b:s5+s2], $0x80, v3, vm0, $0xb8;
	[tilespmem:$0x10400] =	vst v63  }
0xde: {  	s8 =	simm.s32 $0x5400  }
0xdf: {  	[tilespmem:s8], [sflag:$0x3] =	stream.indirect_vreg.gather [hbm4b:s6+s2], $0x80, v3, vm0, $0xb8;
	[tilespmem:$0x10400] =	vst v63  }
0xe0: {  	s13 =	simm.s32 $0x5C00  }
0xe1: {  	[tilespmem:s13], [sflag:$0x3] =	stream.indirect_vreg.gather [hbm4b:s7+s2], $0x80, v3, vm0, $0xb8;
	[tilespmem:$0x10400] =	vst v63  }
0xe2: {  	_ =	swait.ge [sflag:s15], $0x2000  }
0xe3: {  	[sflag:s15] =	ssyncset.done $0x0  }
0xe4: {  	s21 =	sadd.s32 $0x1800, s18;
	s26 =	simm.s32 $0xC400;
	[sflag:s15] =	ssyncadd.s32 $0xFFFFE000  }
0xe5: {  	[hbm4b:s21+s2] =	stream.linear.scatter [tilespmem:s26], [sflag:$0xF], $0x2000, $0x38;
	[tilespmem:$0x10400] =	vst v63  }
0xe6: {  	_ =	swait.ge [sflag:s16], $0x2000  }
0xe7: {  	[sflag:s16] =	ssyncset.done $0x0  }
0xe8: {  	[sflag:s16] =	ssyncadd.s32 $0xFFFFE000  }
0xe9: {  	v3 =	vld.msk [tilespmem:s25+$0xFFFFFFE0], $0xff;
	_ =	sdelay $0x4  }
0xea: {  	v59 =	vshll.u32 v3, $0x3  }
0xeb: {  	v3 =	vand.u32 $0x7, v3;
	v4 =	vand.u32 $0xFFFFFFC0, v59  }
0xec: {  	v3 =	vor.u32 v3, v4  }
0xed: {  	v3 =	vperm.xlane v3, v1;
	_ =	sdelay $0x1  }
0xee: {  	v3 =	vadd.s32 v2, v3;
	_ =	sdelay $0x3  }
0xef: {  	s21 =	simm.s32 $0x6400  }
0xf0: {  	[tilespmem:s21], [sflag:$0x4] =	stream.indirect_vreg.gather [hbm4b:s3+s2], $0x80, v3, vm0, $0xb8;
	[tilespmem:$0x10400] =	vst v63  }
0xf1: {  	s13 =	simm.s32 $0x6C00  }
0xf2: {  	[tilespmem:s13], [sflag:$0x4] =	stream.indirect_vreg.gather [hbm4b:s5+s2], $0x80, v3, vm0, $0xb8;
	[tilespmem:$0x10400] =	vst v63  }
0xf3: {  	s22 =	simm.s32 $0x7400  }
0xf4: {  	[tilespmem:s22], [sflag:$0x4] =	stream.indirect_vreg.gather [hbm4b:s6+s2], $0x80, v3, vm0, $0xb8;
	[tilespmem:$0x10400] =	vst v63  }
0xf5: {  	s8 =	simm.s32 $0x7C00  }
0xf6: {  	[tilespmem:s8], [sflag:$0x4] =	stream.indirect_vreg.gather [hbm4b:s7+s2], $0x80, v3, vm0, $0xb8;
	[tilespmem:$0x10400] =	vst v63  }
0xf7: {  	_ =	swait.ge [sflag:s17], $0x2000  }
0xf8: {  	[sflag:s17] =	ssyncset.done $0x0  }
0xf9: {  	s13 =	sadd.s32 $0x1C00, s18;
	s8 =	simm.s32 $0xE400;
	[sflag:s17] =	ssyncadd.s32 $0xFFFFE000  }
0xfa: {  	[hbm4b:s13+s2] =	stream.linear.scatter [tilespmem:s8], [sflag:$0x10], $0x2000, $0x38;
	[tilespmem:$0x10400] =	vst v63  }
0xfb: {  	_ =	swait.ge [sflag:s9], $0x2000  }
0xfc: {  	[sflag:s9] =	ssyncset.done $0x0  }
0xfd: {  	[sflag:s9] =	ssyncadd.s32 $0xFFFFE000  }
0xfe: {  	v3 =	vld.msk [tilespmem:s25+$0xFFFFFFE8], $0xff;
	_ =	sdelay $0x4  }
0xff: {  	v60 =	vshll.u32 v3, $0x3  }
0x100: {  	v3 =	vand.u32 $0x7, v3;
	v4 =	vand.u32 $0xFFFFFFC0, v60  }
0x101: {  	v3 =	vor.u32 v3, v4  }
0x102: {  	v3 =	vperm.xlane v3, v1;
	_ =	sdelay $0x1  }
0x103: {  	v3 =	vadd.s32 v2, v3;
	_ =	sdelay $0x4  }
0x104: {  	[tilespmem:s31], [sflag:$0x5] =	stream.indirect_vreg.gather [hbm4b:s3+s2], $0x80, v3, vm0, $0xb8;
	[tilespmem:$0x10400] =	vst v63  }
0x105: {  	s22 =	simm.s32 $0x8C00  }
0x106: {  	[tilespmem:s22], [sflag:$0x5] =	stream.indirect_vreg.gather [hbm4b:s5+s2], $0x80, v3, vm0, $0xb8;
	[tilespmem:$0x10400] =	vst v63  }
0x107: {  	s22 =	simm.s32 $0x9400  }
0x108: {  	[tilespmem:s22], [sflag:$0x5] =	stream.indirect_vreg.gather [hbm4b:s6+s2], $0x80, v3, vm0, $0xb8;
	[tilespmem:$0x10400] =	vst v63  }
0x109: {  	s22 =	simm.s32 $0x9C00  }
0x10a: {  	[tilespmem:s22], [sflag:$0x5] =	stream.indirect_vreg.gather [hbm4b:s7+s2], $0x80, v3, vm0, $0xb8;
	[tilespmem:$0x10400] =	vst v63  }
0x10b: {  	_ =	swait.ge [sflag:s29], $0x2000  }
0x10c: {  	[sflag:s29] =	ssyncset.done $0x0  }
0x10d: {  	s22 =	sadd.s32 $0x2000, s18;
	[sflag:s29] =	ssyncadd.s32 $0xFFFFE000  }
0x10e: {  	[hbm4b:s22+s2] =	stream.linear.scatter [tilespmem:s20], [sflag:$0x9], $0x2000, $0x38;
	[tilespmem:$0x10400] =	vst v63  }
0x10f: {  	s22 =	simm.s32 $0xE  }
0x110: {  	_ =	swait.ge [sflag:s22], $0x2000  }
0x111: {  	[sflag:s22] =	ssyncset.done $0x0  }
0x112: {  	[sflag:s22] =	ssyncadd.s32 $0xFFFFE000  }
0x113: {  	v3 =	vld.msk [tilespmem:s25+$0xFFFFFFF0], $0xff;
	_ =	sdelay $0x4  }
0x114: {  	v61 =	vshll.u32 v3, $0x3  }
0x115: {  	v3 =	vand.u32 $0x7, v3;
	v4 =	vand.u32 $0xFFFFFFC0, v61  }
0x116: {  	v3 =	vor.u32 v3, v4  }
0x117: {  	v3 =	vperm.xlane v3, v1;
	_ =	sdelay $0x1  }
0x118: {  	v3 =	vadd.s32 v2, v3;
	_ =	sdelay $0x4  }
0x119: {  	[tilespmem:s28], [sflag:$0x6] =	stream.indirect_vreg.gather [hbm4b:s3+s2], $0x80, v3, vm0, $0xb8;
	[tilespmem:$0x10400] =	vst v63  }
0x11a: {  	s20 =	simm.s32 $0xAC00  }
0x11b: {  	[tilespmem:s20], [sflag:$0x6] =	stream.indirect_vreg.gather [hbm4b:s5+s2], $0x80, v3, vm0, $0xb8;
	[tilespmem:$0x10400] =	vst v63  }
0x11c: {  	s20 =	simm.s32 $0xB400  }
0x11d: {  	[tilespmem:s20], [sflag:$0x6] =	stream.indirect_vreg.gather [hbm4b:s6+s2], $0x80, v3, vm0, $0xb8;
	[tilespmem:$0x10400] =	vst v63  }
0x11e: {  	s20 =	simm.s32 $0xBC00  }
0x11f: {  	[tilespmem:s20], [sflag:$0x6] =	stream.indirect_vreg.gather [hbm4b:s7+s2], $0x80, v3, vm0, $0xb8;
	[tilespmem:$0x10400] =	vst v63  }
0x120: {  	_ =	swait.ge [sflag:s30], $0x2000  }
0x121: {  	[sflag:s30] =	ssyncset.done $0x0  }
0x122: {  	s20 =	sadd.s32 $0x2400, s18;
	[sflag:s30] =	ssyncadd.s32 $0xFFFFE000  }
0x123: {  	[hbm4b:s20+s2] =	stream.linear.scatter [tilespmem:s23], [sflag:$0xA], $0x2000, $0x38;
	[tilespmem:$0x10400] =	vst v63  }
0x124: {  	s20 =	simm.s32 $0xF  }
0x125: {  	_ =	swait.ge [sflag:s20], $0x2000  }
0x126: {  	[sflag:s20] =	ssyncset.done $0x0  }
0x127: {  	[sflag:s20] =	ssyncadd.s32 $0xFFFFE000  }
0x128: {  	v3 =	vld.msk [tilespmem:s25+$0xFFFFFFF8], $0xff;
	_ =	sdelay $0x4  }
0x129: {  	v62 =	vshll.u32 v3, $0x3  }
0x12a: {  	v3 =	vand.u32 $0x7, v3;
	v4 =	vand.u32 $0xFFFFFFC0, v62  }
0x12b: {  	v3 =	vor.u32 v3, v4  }
0x12c: {  	v3 =	vperm.xlane v3, v1;
	_ =	sdelay $0x1  }
0x12d: {  	v3 =	vadd.s32 v2, v3;
	_ =	sdelay $0x4  }
0x12e: {  	[tilespmem:s26], [sflag:$0x7] =	stream.indirect_vreg.gather [hbm4b:s3+s2], $0x80, v3, vm0, $0xb8;
	[tilespmem:$0x10400] =	vst v63  }
0x12f: {  	s26 =	simm.s32 $0xCC00  }
0x130: {  	[tilespmem:s26], [sflag:$0x7] =	stream.indirect_vreg.gather [hbm4b:s5+s2], $0x80, v3, vm0, $0xb8;
	[tilespmem:$0x10400] =	vst v63  }
0x131: {  	s20 =	simm.s32 $0xD400  }
0x132: {  	[tilespmem:s20], [sflag:$0x7] =	stream.indirect_vreg.gather [hbm4b:s6+s2], $0x80, v3, vm0, $0xb8;
	[tilespmem:$0x10400] =	vst v63  }
0x133: {  	s26 =	simm.s32 $0xDC00  }
0x134: {  	[tilespmem:s26], [sflag:$0x7] =	stream.indirect_vreg.gather [hbm4b:s7+s2], $0x80, v3, vm0, $0xb8;
	[tilespmem:$0x10400] =	vst v63  }
0x135: {  	_ =	swait.ge [sflag:s1], $0x2000  }
0x136: {  	[sflag:s1] =	ssyncset.done $0x0  }
0x137: {  	s20 =	sadd.s32 $0x2800, s18;
	[sflag:s1] =	ssyncadd.s32 $0xFFFFE000  }
0x138: {  	[hbm4b:s20+s2] =	stream.linear.scatter [tilespmem:s19], [sflag:$0xB], $0x2000, $0x38;
	[tilespmem:$0x10400] =	vst v63  }
0x139: {  	s19 =	simm.s32 $0x10  }
0x13a: {  	_ =	swait.ge [sflag:s19], $0x2000  }
0x13b: {  	[sflag:s19] =	ssyncset.done $0x0  }
0x13c: {  	[sflag:s19] =	ssyncadd.s32 $0xFFFFE000  }
0x13d: {  	v3 =	vld.msk [tilespmem:s25+$0x0], $0xff;
	_ =	sdelay $0x4  }
0x13e: {  	v63 =	vshll.u32 v3, $0x3  }
0x13f: {  	v3 =	vand.u32 $0x7, v3;
	v4 =	vand.u32 $0xFFFFFFC0, v63  }
0x140: {  	v3 =	vor.u32 v3, v4  }
0x141: {  	v3 =	vperm.xlane v3, v1;
	_ =	sdelay $0x1  }
0x142: {  	v3 =	vadd.s32 v2, v3;
	_ =	sdelay $0x4  }
0x143: {  	[tilespmem:s8], [sflag:$0x8] =	stream.indirect_vreg.gather [hbm4b:s3+s2], $0x80, v3, vm0, $0xb8;
	[tilespmem:$0x10400] =	vst v63  }
0x144: {  	s26 =	simm.s32 $0xEC00  }
0x145: {  	[tilespmem:s26], [sflag:$0x8] =	stream.indirect_vreg.gather [hbm4b:s5+s2], $0x80, v3, vm0, $0xb8;
	[tilespmem:$0x10400] =	vst v63  }
0x146: {  	s20 =	simm.s32 $0xF400  }
0x147: {  	[tilespmem:s20], [sflag:$0x8] =	stream.indirect_vreg.gather [hbm4b:s6+s2], $0x80, v3, vm0, $0xb8;
	[tilespmem:$0x10400] =	vst v63  }
0x148: {  	p0 =	sne.s32 s24, $0x1C000;
	s26 =	simm.s32 $0xFC00  }
0x149: {  	[tilespmem:s26], [sflag:$0x8] =	stream.indirect_vreg.gather [hbm4b:s7+s2], $0x80, v3, vm0, $0xb8;
	[tilespmem:$0x10400] =	vst v63  }
.Ltmp1:
0x14a: {  	s24 =	sadd.s32 $0x2000, s24;
	(pc) =	sbr.rel @p0 .LBB2_4-.Ltmp1, $4  }
0x14b: {  	s13 =	simm.s32 $0x8400;
	s31 =	simm.s32 $0xA400;
	_ =	swait.ge [sflag:s0], $0x2000  }
0x14c: {  	s22 =	simm.s32 $0xE400;
	s28 =	simm.s32 $0xC400;
	[sflag:s0] =	ssyncset.done $0x0  }
0x14d: {  	s18 =	sadd.s32 $0x2C00, s18;
	s25 =	sadd.s32 $0x40, s25;
	[sflag:s0] =	ssyncadd.s32 $0xFFFFE000  }
0x14e: {  	[hbm4b:s18+s2] =	stream.linear.scatter [tilespmem:s21], [sflag:$0xC], $0x2000, $0x38;
	[tilespmem:$0x10400] =	vst v63  }
0x14f: {  	_ =	swait.ge [sflag:s10], $0x2000  }
0x150: {  	[sflag:s10] =	ssyncset.done $0x0  }
0x151: {  	s18 =	rddreg [dreg:$0x9];
	[sflag:s10] =	ssyncadd.s32 $0xFFFFE000  }
0x152: {  	[hbm4b:s18+s2] =	stream.linear.scatter [tilespmem:s13], [sflag:$0xD], $0x2000, $0x38;
	[tilespmem:$0x10400] =	vst v63  }
0x153: {  	_ =	swait.ge [sflag:s12], $0x2000  }
0x154: {  	[sflag:s12] =	ssyncset.done $0x0  }
0x155: {  	s20 =	rddreg [dreg:$0xa];
	[sflag:s12] =	ssyncadd.s32 $0xFFFFE000  }
0x156: {  	[hbm4b:s20+s2] =	stream.linear.scatter [tilespmem:s31], [sflag:$0xE], $0x2000, $0x38;
	[tilespmem:$0x10400] =	vst v63  }
0x157: {  	_ =	swait.ge [sflag:s15], $0x2000  }
0x158: {  	[sflag:s15] =	ssyncset.done $0x0  }
0x159: {  	s21 =	rddreg [dreg:$0xb];
	[sflag:s15] =	ssyncadd.s32 $0xFFFFE000  }
0x15a: {  	[hbm4b:s21+s2] =	stream.linear.scatter [tilespmem:s28], [sflag:$0xF], $0x2000, $0x38;
	[tilespmem:$0x10400] =	vst v63  }
0x15b: {  	_ =	swait.ge [sflag:s17], $0x2000  }
0x15c: {  	[sflag:s17] =	ssyncset.done $0x0  }
0x15d: {  	s24 =	rddreg [dreg:$0xc];
	[sflag:s17] =	ssyncadd.s32 $0xFFFFE000  }
0x15e: {  	[hbm4b:s24+s2] =	stream.linear.scatter [tilespmem:s22], [sflag:$0x10], $0x2000, $0x38;
	[tilespmem:$0x10400] =	vst v63  }
0x15f: {  	_ =	swait.ge [sflag:s4], $0x2000  }
0x160: {  	[sflag:s4] =	ssyncset.done $0x0  }
0x161: {  	[sflag:s4] =	ssyncadd.s32 $0xFFFFE000  }
0x162: {  	_ =	swait.ge [sflag:s11], $0x2000  }
0x163: {  	[sflag:s11] =	ssyncset.done $0x0  }
0x164: {  	[sflag:s11] =	ssyncadd.s32 $0xFFFFE000  }
0x165: {  	_ =	swait.ge [sflag:s14], $0x2000  }
0x166: {  	[sflag:s14] =	ssyncset.done $0x0  }
0x167: {  	[sflag:s14] =	ssyncadd.s32 $0xFFFFE000  }
0x168: {  	_ =	swait.ge [sflag:s16], $0x2000  }
0x169: {  	[sflag:s16] =	ssyncset.done $0x0  }
0x16a: {  	[sflag:s16] =	ssyncadd.s32 $0xFFFFE000  }
0x16b: {  	_ =	swait.ge [sflag:s9], $0x2000  }
0x16c: {  	[sflag:s9] =	ssyncset.done $0x0  }
0x16d: {  	s0 =	simm.s32 $0xE;
	[sflag:s9] =	ssyncadd.s32 $0xFFFFE000  }
0x16e: {  	_ =	swait.ge [sflag:s0], $0x2000  }
0x16f: {  	[sflag:s0] =	ssyncset.done $0x0  }
0x170: {  	s25 =	simm.s32 $0xF;
	[sflag:s0] =	ssyncadd.s32 $0xFFFFE000  }
0x171: {  	_ =	swait.ge [sflag:s25], $0x2000  }
0x172: {  	[sflag:s25] =	ssyncset.done $0x0  }
0x173: {  	[sflag:s25] =	ssyncadd.s32 $0xFFFFE000  }
0x174: {  	_ =	swait.ge [sflag:s19], $0x2000  }
0x175: {  	s26 =	rddreg [dreg:$0xe]  }
0x176: {  	s28 =	rddreg [dreg:$0xd];
	s0 =	sadd.s32 $0x1, s26  }
0x177: {  	p0 =	sne.s32 s0, s28  }
.Ltmp2:
0x178: {  	_ = 	snop;
	(pc) =	sbr.rel @p0 .LBB2_1-.Ltmp2, $4  }
0x179: {  	s8 =	simm.s32 $0x2C00;
	s29 =	simm.s32 $0xF400;
	s1 =	simm.s32 $0xFC00  }
0x17a: {  	s13 =	simm.s32 $0x1C00;
	s31 =	simm.s32 $0x3C00;
	s21 =	simm.s32 $0x3400  }
0x17b: {  	s22 =	simm.s32 $0x400;
	s9 =	simm.s32 $0x1400;
	[sflag:s19] =	ssyncset.done $0x0  }
0x17c: {  	s25 =	simm.s32 $0xC00;
	[sflag:s19] =	ssyncadd.s32 $0xFFFFE000;
	s26 =	simm.s32 $0x2400  }
0x17d: {  	_ =	sfence.sel $0x180000  }
0x17e: {  	[bflag:$0x0] =	sbarrier.arrive $0xFFFF  }
0x17f: {  	_ =	strace $0x90000047  }
0x180: {  	s0 =	stileid.u32;
	[bflag:$0x2] =	sbarrier.arrive $0xFFFF  }
0x181: {  	p0 =	sne.s32 s0, $0x0;
	s0 =	rddreg [dreg:$0x2]  }
0x182: {  	s0 =	sadd.s32 @!p0 $0x100000, s0  }
0x183: {  	[sflag:s0] =	ssyncadd.tile.s32 @!p0 $0x1;
	_ =	shalt  }
.Lfunc_end2:
_tile_overlayer_lowered:
.L_overlay_start_2:
0x184: {  	(tag) =	ssettag $0x2  }
0x185: {  	s0 =	rddreg [dreg:$0x0];
	s2 =	stileid.u32  }
0x186: {  	s1 =	rddreg [dreg:$0x1];
	p0 =	sne.s32 s2, $0x0  }
0x187: {  	s3 =	rddreg [dreg:$0x2];
	[bflag:$0x3] =	sbarrier.arrive $0xFFFF;
	s2 =	simm.s32 @!p0 $0x1C11  }
0x188: {  	[timem:s3], [sflag:s2] =	dma.local @!p0 [hbm:s0], s1  }
0x189: {  	s0 =	simm.s32 @!p0 $0x11  }
0x18a: {  	_ =	swait.ge @!p0 [sflag:s0], s1  }
0x18b: {  	s1 =	ssub.s32 @!p0 $0x0, s1;
	[sflag:s0] =	ssyncset.done @!p0 $0x0  }
0x18c: {  	[sflag:s0] =	ssyncadd.s32 @!p0 s1  }
0x18d: {  	[bflag:$0x3] =	sbarrier.arrive $0xFFFF  }
0x18e: {  	_ =	shalt  }

</sc_bundles>
